<compile_context>
chip_gen: v7x
topology: tpu7x:2x2x1
jax: 0.10.2.dev20260603
libtpu: 0.0.44.dev20260713+nightly
codegen_flags: <defaults>
</compile_context>

<pallas_src>
import dataclasses

import jax
import jax.numpy as jnp
from jax.experimental import pallas as pl
from jax.experimental.pallas import tpu as pltpu
from jax.experimental.pallas import tpu_sc as plsc

_SCALAR = 30.0
_BM = 512
_GW = 128


def _lse_kernel(f_ref, wl_ref, wq_ref, out_ref):
    f = f_ref[...].astype(jnp.bfloat16)
    nt = (((1,), (1,)), ((), ()))
    sl = jax.lax.dot_general(f, wl_ref[...], nt,
                             preferred_element_type=jnp.float32)
    sq = jax.lax.dot_general(f, wq_ref[...], nt,
                             preferred_element_type=jnp.float32)
    se = jnp.sum(jnp.exp2(sl), axis=1) + jnp.sum(jnp.exp2(sq), axis=1)
    out_ref[...] = jnp.log(se)


def _combine_kernel(dp_ref, lab_ref, lse_ref, out_ref):
    lab = lab_ref[...]
    valid = lab > -1
    d = dp_ref[0, :]
    nll = lse_ref[...] - _SCALAR * d
    part = jnp.sum(jnp.where(valid, nll, 0.0))
    pcnt = jnp.sum(valid.astype(jnp.float32))
    out_ref[...] = (part / jnp.maximum(pcnt, 1.0)).reshape(1, 1)


def _sc_gather_dot(table, labels, features):
    n_rows = labels.shape[0]
    feat = table.shape[1]
    nl = 16
    idx2d = labels.reshape(1, n_rows)

    cp = pltpu.CompilerParams()
    if "needs_layout_passes" in pltpu.CompilerParams.__dataclass_fields__:
        cp = dataclasses.replace(cp, needs_layout_passes=False)

    @pl.kernel(
        out_type=jax.ShapeDtypeStruct((1, n_rows), jnp.float32),
        mesh=plsc.VectorSubcoreMesh(core_axis_name="core",
                                    subcore_axis_name="subcore"),
        scratch_types=[pltpu.VMEM((_GW, feat), jnp.float32)],
        compiler_params=cp,
    )
    def gather_kernel(t_hbm, i_hbm, f_hbm, o_hbm, g_scr):
        def body(i_vmem, f_vmem, o_vmem):
            pltpu.sync_copy(t_hbm.at[i_vmem.at[0]], g_scr)

            @pl.loop(0, _GW, step=nl)
            def _(g):
                def row_step(j, vec):
                    def k_step(k, acc):
                        ks = pl.ds(k * nl, nl)
                        return acc + f_vmem[g + j, ks] * g_scr[g + j, ks]

                    acc = jax.lax.fori_loop(
                        0, feat // nl, k_step, jnp.zeros((nl,), jnp.float32)
                    )
                    lane = jax.lax.iota(jnp.int32, nl)
                    return jnp.where(lane == j, jnp.sum(acc), vec)

                o_vmem[0, pl.ds(g, nl)] = jax.lax.fori_loop(
                    0, nl, row_step, jnp.zeros((nl,), jnp.float32)
                )

        pltpu.emit_pipeline(
            body,
            grid=(n_rows // _GW,),
            in_specs=[
                pl.BlockSpec((1, _GW), index_map=lambda i: (0, i)),
                pl.BlockSpec((_GW, feat), index_map=lambda i: (i, 0)),
            ],
            out_specs=[pl.BlockSpec((1, _GW), index_map=lambda i: (0, i))],
            core_axis_name=("core", "subcore"),
            dimension_semantics=(pltpu.PARALLEL,),
        )(i_hbm, f_hbm, o_hbm)

    return gather_kernel(table, idx2d, features)


@jax.jit
def kernel(features, pid_labels, lookup_table, queue):
    n_rows, feat = features.shape
    nl_rows = lookup_table.shape[0]
    nq_rows = queue.shape[0]
    c = _SCALAR * 1.4426950408889634
    wl = (lookup_table * c).astype(jnp.bfloat16)
    wq = (queue * c).astype(jnp.bfloat16)

    dp = _sc_gather_dot(lookup_table, pid_labels, features)

    n_steps = n_rows // _BM
    lse = pl.pallas_call(
        _lse_kernel,
        grid=(n_steps,),
        in_specs=[
            pl.BlockSpec((_BM, feat), lambda i: (i, 0)),
            pl.BlockSpec((nl_rows, feat), lambda i: (0, 0)),
            pl.BlockSpec((nq_rows, feat), lambda i: (0, 0)),
        ],
        out_specs=pl.BlockSpec((_BM,), lambda i: (i,)),
        out_shape=jax.ShapeDtypeStruct((n_rows,), jnp.float32),
    )(features, wl, wq)

    out = pl.pallas_call(
        _combine_kernel,
        grid=(1,),
        in_specs=[
            pl.BlockSpec((1, n_rows), lambda i: (0, 0)),
            pl.BlockSpec((n_rows,), lambda i: (0,)),
            pl.BlockSpec((n_rows,), lambda i: (0,)),
        ],
        out_specs=pl.BlockSpec((1, 1), lambda i: (0, 0)),
        out_shape=jax.ShapeDtypeStruct((1, 1), jnp.float32),
    )(dp, pid_labels, lse)
    return out[0, 0]

# --- scband reference (transcript-rebuilt; emitter-appended) ---
"""Pipeline reference for scband-oimloss-47674136985859 (READ-ONLY COPY).

The authoritative reference and input builder live on the scoring server;
editing this copy changes nothing except your own understanding.
"""

import jax, jax.numpy as jnp
import numpy as np

NUM_PERSONS = 5532
FEAT_LEN = 256
QUEUE_SIZE = 5000
OIM_SCALAR = 30.0
N_PROPOSALS = 16384


def setup_inputs(seed: int = 0) -> dict:
    key = jax.random.key(seed)
    k1, k2, k3, k4 = jax.random.split(key, 4)
    features = jax.random.normal(k1, (N_PROPOSALS, FEAT_LEN), dtype=jnp.float32)
    features = features / jnp.linalg.norm(features, axis=1, keepdims=True)
    pid_labels = jax.random.randint(k2, (N_PROPOSALS,), 0, NUM_PERSONS, dtype=jnp.int32)
    # Learned/buffer state of OIMLoss: labeled lookup table + unlabeled circular queue.
    lookup_table = jax.random.normal(k3, (NUM_PERSONS, FEAT_LEN), dtype=jnp.float32)
    lookup_table = lookup_table / jnp.linalg.norm(lookup_table, axis=1, keepdims=True)
    queue = jax.random.normal(k4, (QUEUE_SIZE, FEAT_LEN), dtype=jnp.float32)
    queue = queue / jnp.linalg.norm(queue, axis=1, keepdims=True)
    return {"features": features, "pid_labels": pid_labels, "lookup_table": lookup_table, "queue": queue}


def reference(features, pid_labels, lookup_table, queue):
    # Labeled matching: similarities vs labeled-person lookup table.
    scores_lb = features @ lookup_table.T
    # Unlabeled matching: similarities vs circular queue of unlabeled features.
    scores_ulb = features @ queue.T
    scores = jnp.concatenate([scores_lb, scores_ulb], axis=1) * OIM_SCALAR
    # Cross-entropy over (num_persons + queue_size) classes, ignore_index = -1.
    valid = pid_labels > -1
    safe_labels = jnp.where(valid, pid_labels, 0)
    logp = jax.nn.log_softmax(scores, axis=1)
    nll = -jnp.take_along_axis(logp, safe_labels[:, None], axis=1)[:, 0]
    denom = jnp.maximum(jnp.sum(valid.astype(jnp.float32)), 1.0)
    loss = jnp.sum(jnp.where(valid, nll, 0.0)) / denom
    return loss

if __name__ == "__main__":
    import jax
    _d = setup_inputs()
    print(jax.jit(kernel)(*tuple(_d.values())))

</pallas_src>

<mosaic_0001>
#map = affine_map<(d0, d1) -> (0, 0)>
module attributes {stable_mosaic.version = 14 : i64} {
  func.func @gather_kernel(%arg0: i32, %arg1: i32, %arg2: memref<5532x256xf32, #tpu.memory_space<hbm>>, %arg3: memref<1x16384xi32, #tpu.memory_space<hbm>>, %arg4: memref<16384x256xf32, #tpu.memory_space<hbm>>, %arg5: memref<1x16384xf32, #tpu.memory_space<hbm>>, %arg6: memref<128x256xf32, #tpu.memory_space<vmem>>) attributes {dimension_semantics = [#tpu.dimension_semantics<core_parallel>, #tpu.dimension_semantics<subcore_parallel>], iteration_bounds = array<i64: 2, 16>, scalar_prefetch = 0 : i64, scratch_operands = 1 : i64, tpu.core_type = #tpu.core_type<sc_vector_subcore>, window_params = [{transform_indices = #map}, {transform_indices = #map}, {transform_indices = #map}, {transform_indices = #map}]} {
    %mul3A = arith.constant 1 : i32
    %mul3A_0 = arith.muli %arg1, %mul3A : i32
    %add3A = arith.constant 0 : i32
    %add3A_1 = arith.addi %add3A, %mul3A_0 : i32
    %mul3A_2 = arith.constant 16 : i32
    %mul3A_3 = arith.muli %arg0, %mul3A_2 : i32
    %add3A_4 = arith.addi %add3A_1, %mul3A_3 : i32
    %mul3A_5 = arith.constant 4 : i32
    %mul3A_6 = arith.muli %add3A_4, %mul3A_5 : i32
    "tpu.region"() ({
      %run_scoped3A = memref.alloca() : memref<2x1x128xi32, #tpu.memory_space<vmem>>
      %run_scoped3A_7 = tpu.sem_alloc : memref<2x!tpu.dma_semaphore, #tpu.memory_space<semaphore_mem>>
      %run_scoped3A_8 = memref.alloca() : memref<2x128x256xf32, #tpu.memory_space<vmem>>
      %run_scoped3A_9 = tpu.sem_alloc : memref<2x!tpu.dma_semaphore, #tpu.memory_space<semaphore_mem>>
      %run_scoped3A_10 = memref.alloca() : memref<2x1x128xf32, #tpu.memory_space<vmem>>
      %run_scoped3A_11 = tpu.sem_alloc : memref<2x!tpu.dma_semaphore, #tpu.memory_space<semaphore_mem>>
      %add3A_12 = arith.constant 0 : i32
      %add3A_13 = arith.addi %add3A_12, %mul3A_6 : i32
      %select_n3A = arith.constant true
      %select_n3A_14 = arith.constant 0 : i32
      %select_n3A_15 = arith.constant -1 : i32
      %select_n3A_16 = arith.select %select_n3A, %select_n3A_15, %select_n3A_14 : i32
      %eq3A = arith.constant -1 : i32
      %eq3A_17 = arith.cmpi eq, %select_n3A_16, %eq3A : i32
      %select_n3A_18 = arith.constant 3 : i32
      %select_n3A_19 = arith.select %eq3A_17, %select_n3A_18, %select_n3A_16 : i32
      %add3A_20 = arith.addi %select_n3A_19, %mul3A_6 : i32
      %select_n3A_21 = arith.constant true
      %select_n3A_22 = arith.constant 0 : i32
      %select_n3A_23 = arith.constant 1 : i32
      %select_n3A_24 = arith.select %select_n3A_21, %select_n3A_23, %select_n3A_22 : i32
      %eq3A_25 = arith.constant 4 : i32
      %eq3A_26 = arith.cmpi eq, %select_n3A_24, %eq3A_25 : i32
      %select_n3A_27 = arith.constant 0 : i32
      %select_n3A_28 = arith.select %eq3A_26, %select_n3A_27, %select_n3A_24 : i32
      %add3A_29 = arith.addi %select_n3A_28, %mul3A_6 : i32
      %add3A_30 = arith.constant 1 : i32
      %add3A_31 = arith.addi %select_n3A_28, %add3A_30 : i32
      %select_n3A_32 = arith.constant true
      %select_n3A_33 = arith.select %select_n3A_32, %add3A_31, %select_n3A_28 : i32
      %eq3A_34 = arith.constant 4 : i32
      %eq3A_35 = arith.cmpi eq, %select_n3A_33, %eq3A_34 : i32
      %select_n3A_36 = arith.constant 0 : i32
      %select_n3A_37 = arith.select %eq3A_35, %select_n3A_36, %select_n3A_33 : i32
      %add3A_38 = arith.addi %select_n3A_37, %mul3A_6 : i32
      "tpu.trace_start"() <{level = 10 : i32, message = "ep_initialize_0"}> : () -> ()
      %rem3A = arith.constant 0 : i32
      %rem3A_39 = arith.constant 2 : i32
      %rem3A_40 = arith.remui %rem3A, %rem3A_39 : i32
      %mul3A_41 = arith.constant 128 : i32
      %mul3A_42 = arith.muli %mul3A_41, %add3A_13 : i32
      %dma_start3A = arith.constant 0 : i32
      %dma_start3A_43 = arith.constant 0 : i32
      %dma_start3A_44 = tpu.memref_slice %run_scoped3A[%rem3A_40, %dma_start3A, %dma_start3A_43] : memref<2x1x128xi32, #tpu.memory_space<vmem>> -> memref<1x1x128xi32, #tpu.memory_space<vmem>>
      %dma_start3A_45 = tpu.memref_squeeze %dma_start3A_44 : memref<1x1x128xi32, #tpu.memory_space<vmem>> -> memref<1x128xi32, #tpu.memory_space<vmem>>
      %dma_start3A_46 = arith.constant 0 : i32
      %dma_start3A_47 = tpu.memref_slice %arg3[%dma_start3A_46, %mul3A_42] : memref<1x16384xi32, #tpu.memory_space<hbm>> -> memref<1x128xi32, #tpu.memory_space<hbm>>
      %dma_start3A_48 = tpu.memref_slice %run_scoped3A_7[%rem3A_40] : memref<2x!tpu.dma_semaphore, #tpu.memory_space<semaphore_mem>> -> memref<1x!tpu.dma_semaphore, #tpu.memory_space<semaphore_mem>>
      %dma_start3A_49 = tpu.memref_squeeze %dma_start3A_48 : memref<1x!tpu.dma_semaphore, #tpu.memory_space<semaphore_mem>> -> memref<!tpu.dma_semaphore, #tpu.memory_space<semaphore_mem>>
      %dma_start3A_50 = arith.constant 0 : i32
      %dma_start3A_51 = arith.constant 0 : i32
      %dma_start3A_52 = tpu.memref_slice %run_scoped3A[%rem3A_40, %dma_start3A_50, %dma_start3A_51] : memref<2x1x128xi32, #tpu.memory_space<vmem>> -> memref<1x1x128xi32, #tpu.memory_space<vmem>>
      %dma_start3A_53 = tpu.memref_squeeze %dma_start3A_52 : memref<1x1x128xi32, #tpu.memory_space<vmem>> -> memref<1x128xi32, #tpu.memory_space<vmem>>
      %dma_start3A_54 = arith.constant 0 : i32
      %dma_start3A_55 = tpu.memref_slice %arg3[%dma_start3A_54, %mul3A_42] : memref<1x16384xi32, #tpu.memory_space<hbm>> -> memref<1x128xi32, #tpu.memory_space<hbm>>
      tpu.enqueue_dma source(%dma_start3A_55 : memref<1x128xi32, #tpu.memory_space<hbm>>) target(%dma_start3A_53 : memref<1x128xi32, #tpu.memory_space<vmem>>) target_semaphore(%dma_start3A_49 : memref<!tpu.dma_semaphore, #tpu.memory_space<semaphore_mem>>)
      %add3A_56 = arith.constant 0 : i32
      %add3A_57 = arith.constant 1 : i32
      %add3A_58 = arith.addi %add3A_56, %add3A_57 : i32
      %select_n3A_59 = arith.constant true
      %select_n3A_60 = arith.constant 0 : i32
      %select_n3A_61 = arith.select %select_n3A_59, %add3A_58, %select_n3A_60 : i32
      %rem3A_62 = arith.constant 0 : i32
      %rem3A_63 = arith.constant 2 : i32
      %rem3A_64 = arith.remui %rem3A_62, %rem3A_63 : i32
      %mul3A_65 = arith.constant 128 : i32
      %mul3A_66 = arith.muli %mul3A_65, %add3A_13 : i32
      %dma_start3A_67 = arith.constant 0 : i32
      %dma_start3A_68 = arith.constant 0 : i32
      %dma_start3A_69 = tpu.memref_slice %run_scoped3A_8[%rem3A_64, %dma_start3A_67, %dma_start3A_68] : memref<2x128x256xf32, #tpu.memory_space<vmem>> -> memref<1x128x256xf32, #tpu.memory_space<vmem>>
      %dma_start3A_70 = tpu.memref_squeeze %dma_start3A_69 : memref<1x128x256xf32, #tpu.memory_space<vmem>> -> memref<128x256xf32, #tpu.memory_space<vmem>>
      %dma_start3A_71 = arith.constant 0 : i32
      %dma_start3A_72 = tpu.memref_slice %arg4[%mul3A_66, %dma_start3A_71] : memref<16384x256xf32, #tpu.memory_space<hbm>> -> memref<128x256xf32, #tpu.memory_space<hbm>>
      %dma_start3A_73 = tpu.memref_slice %run_scoped3A_9[%rem3A_64] : memref<2x!tpu.dma_semaphore, #tpu.memory_space<semaphore_mem>> -> memref<1x!tpu.dma_semaphore, #tpu.memory_space<semaphore_mem>>
      %dma_start3A_74 = tpu.memref_squeeze %dma_start3A_73 : memref<1x!tpu.dma_semaphore, #tpu.memory_space<semaphore_mem>> -> memref<!tpu.dma_semaphore, #tpu.memory_space<semaphore_mem>>
      %dma_start3A_75 = arith.constant 0 : i32
      %dma_start3A_76 = arith.constant 0 : i32
      %dma_start3A_77 = tpu.memref_slice %run_scoped3A_8[%rem3A_64, %dma_start3A_75, %dma_start3A_76] : memref<2x128x256xf32, #tpu.memory_space<vmem>> -> memref<1x128x256xf32, #tpu.memory_space<vmem>>
      %dma_start3A_78 = tpu.memref_squeeze %dma_start3A_77 : memref<1x128x256xf32, #tpu.memory_space<vmem>> -> memref<128x256xf32, #tpu.memory_space<vmem>>
      %dma_start3A_79 = arith.constant 0 : i32
      %dma_start3A_80 = tpu.memref_slice %arg4[%mul3A_66, %dma_start3A_79] : memref<16384x256xf32, #tpu.memory_space<hbm>> -> memref<128x256xf32, #tpu.memory_space<hbm>>
      tpu.enqueue_dma source(%dma_start3A_80 : memref<128x256xf32, #tpu.memory_space<hbm>>) target(%dma_start3A_78 : memref<128x256xf32, #tpu.memory_space<vmem>>) target_semaphore(%dma_start3A_74 : memref<!tpu.dma_semaphore, #tpu.memory_space<semaphore_mem>>)
      %add3A_81 = arith.constant 0 : i32
      %add3A_82 = arith.constant 1 : i32
      %add3A_83 = arith.addi %add3A_81, %add3A_82 : i32
      %select_n3A_84 = arith.constant true
      %select_n3A_85 = arith.constant 0 : i32
      %select_n3A_86 = arith.select %select_n3A_84, %add3A_83, %select_n3A_85 : i32
      "tpu.trace_stop"() : () -> ()
      %scan3A = arith.constant 0 : i32
      %scan3A_87 = arith.constant 0 : i32
      %scan3A_88 = arith.constant 0 : i32
      %scan3A_89 = arith.constant 0 : i32
      %scan3A_90 = arith.constant 0 : i32
      %scan3A_91 = arith.constant 0 : i32
      %scan3A_92 = arith.constant 4 : i32
      %scan3A_93 = arith.addi %scan3A_91, %scan3A_92 : i32
      %scan3A_94 = arith.constant 1 : i32
      %scan3A_95:7 = scf.for %scan3A_149 = %scan3A_91 to %scan3A_93 step %scan3A_94 iter_args(%scan3A_150 = %select_n3A_61, %scan3A_151 = %scan3A, %scan3A_152 = %select_n3A_86, %scan3A_153 = %scan3A_87, %scan3A_154 = %scan3A_88, %scan3A_155 = %scan3A_89, %scan3A_156 = %scan3A_90) -> (i32, i32, i32, i32, i32, i32, i32)  : i32 {
        %eq3A_157 = arith.constant 0 : i32
        %eq3A_158 = arith.cmpi eq, %scan3A_149, %eq3A_157 : i32
        %eq3A_159 = arith.constant 3 : i32
        %eq3A_160 = arith.cmpi eq, %scan3A_149, %eq3A_159 : i32
        %add3A_161 = arith.addi %scan3A_156, %mul3A_6 : i32
        %sub3A_162 = arith.constant 1 : i32
        %sub3A_163 = arith.subi %scan3A_156, %sub3A_162 : i32
        %select_n3A_164 = arith.constant true
        %select_n3A_165 = arith.select %select_n3A_164, %sub3A_163, %scan3A_156 : i32
        %eq3A_166 = arith.constant -1 : i32
        %eq3A_167 = arith.cmpi eq, %select_n3A_165, %eq3A_166 : i32
        %select_n3A_168 = arith.constant 3 : i32
        %select_n3A_169 = arith.select %eq3A_167, %select_n3A_168, %select_n3A_165 : i32
        %add3A_170 = arith.addi %select_n3A_169, %mul3A_6 : i32
        %add3A_171 = arith.constant 1 : i32
        %add3A_172 = arith.addi %scan3A_156, %add3A_171 : i32
        %select_n3A_173 = arith.constant true
        %select_n3A_174 = arith.select %select_n3A_173, %add3A_172, %scan3A_156 : i32
        %eq3A_175 = arith.constant 4 : i32
        %eq3A_176 = arith.cmpi eq, %select_n3A_174, %eq3A_175 : i32
        %select_n3A_177 = arith.constant 0 : i32
        %select_n3A_178 = arith.select %eq3A_176, %select_n3A_177, %select_n3A_174 : i32
        %add3A_179 = arith.addi %select_n3A_178, %mul3A_6 : i32
        %add3A_180 = arith.constant 1 : i32
        %add3A_181 = arith.addi %select_n3A_178, %add3A_180 : i32
        %select_n3A_182 = arith.constant true
        %select_n3A_183 = arith.select %select_n3A_182, %add3A_181, %select_n3A_178 : i32
        %eq3A_184 = arith.constant 4 : i32
        %eq3A_185 = arith.cmpi eq, %select_n3A_183, %eq3A_184 : i32
        %select_n3A_186 = arith.constant 0 : i32
        %select_n3A_187 = arith.select %eq3A_185, %select_n3A_186, %select_n3A_183 : i32
        %add3A_188 = arith.addi %select_n3A_187, %mul3A_6 : i32
        %ne3A = arith.cmpi ne, %add3A_161, %add3A_179 : i32
        %or3A = arith.constant false
        %or3A_189 = arith.ori %or3A, %ne3A : i1
        %ge3A = arith.constant 3 : i32
        %ge3A_190 = arith.cmpi sge, %scan3A_149, %ge3A : i32
        %not3A = arith.constant true
        %not3A_191 = arith.xori %ge3A_190, %not3A : i1
        %and3A = arith.andi %or3A_189, %not3A_191 : i1
        %convert_element_type3A = arith.extui %and3A : i1 to i32
        %cond3A = arith.constant 0 : i32
        %cond3A_192 = arith.cmpi ne, %convert_element_type3A, %cond3A : i32
        scf.if %cond3A_192 {
          "tpu.trace_start"() <{level = 10 : i32, message = "ep_copy_in"}> : () -> ()
          %rem3A_353 = arith.constant 2 : i32
          %rem3A_354 = arith.remui %scan3A_150, %rem3A_353 : i32
          %mul3A_355 = arith.constant 128 : i32
          %mul3A_356 = arith.muli %mul3A_355, %add3A_179 : i32
          %dma_start3A_357 = arith.constant 0 : i32
          %dma_start3A_358 = arith.constant 0 : i32
          %dma_start3A_359 = tpu.memref_slice %run_scoped3A[%rem3A_354, %dma_start3A_357, %dma_start3A_358] : memref<2x1x128xi32, #tpu.memory_space<vmem>> -> memref<1x1x128xi32, #tpu.memory_space<vmem>>
          %dma_start3A_360 = tpu.memref_squeeze %dma_start3A_359 : memref<1x1x128xi32, #tpu.memory_space<vmem>> -> memref<1x128xi32, #tpu.memory_space<vmem>>
          %dma_start3A_361 = arith.constant 0 : i32
          %dma_start3A_362 = tpu.memref_slice %arg3[%dma_start3A_361, %mul3A_356] : memref<1x16384xi32, #tpu.memory_space<hbm>> -> memref<1x128xi32, #tpu.memory_space<hbm>>
          %dma_start3A_363 = tpu.memref_slice %run_scoped3A_7[%rem3A_354] : memref<2x!tpu.dma_semaphore, #tpu.memory_space<semaphore_mem>> -> memref<1x!tpu.dma_semaphore, #tpu.memory_space<semaphore_mem>>
          %dma_start3A_364 = tpu.memref_squeeze %dma_start3A_363 : memref<1x!tpu.dma_semaphore, #tpu.memory_space<semaphore_mem>> -> memref<!tpu.dma_semaphore, #tpu.memory_space<semaphore_mem>>
          %dma_start3A_365 = arith.constant 0 : i32
          %dma_start3A_366 = arith.constant 0 : i32
          %dma_start3A_367 = tpu.memref_slice %run_scoped3A[%rem3A_354, %dma_start3A_365, %dma_start3A_366] : memref<2x1x128xi32, #tpu.memory_space<vmem>> -> memref<1x1x128xi32, #tpu.memory_space<vmem>>
          %dma_start3A_368 = tpu.memref_squeeze %dma_start3A_367 : memref<1x1x128xi32, #tpu.memory_space<vmem>> -> memref<1x128xi32, #tpu.memory_space<vmem>>
          %dma_start3A_369 = arith.constant 0 : i32
          %dma_start3A_370 = tpu.memref_slice %arg3[%dma_start3A_369, %mul3A_356] : memref<1x16384xi32, #tpu.memory_space<hbm>> -> memref<1x128xi32, #tpu.memory_space<hbm>>
          tpu.enqueue_dma source(%dma_start3A_370 : memref<1x128xi32, #tpu.memory_space<hbm>>) target(%dma_start3A_368 : memref<1x128xi32, #tpu.memory_space<vmem>>) target_semaphore(%dma_start3A_364 : memref<!tpu.dma_semaphore, #tpu.memory_space<semaphore_mem>>)
          "tpu.trace_stop"() : () -> ()
        } else {
        }
        %and3A_193 = arith.constant true
        %and3A_194 = arith.andi %and3A, %and3A_193 : i1
        %add3A_195 = arith.constant 1 : i32
        %add3A_196 = arith.addi %scan3A_150, %add3A_195 : i32
        %select_n3A_197 = arith.select %and3A_194, %add3A_196, %scan3A_150 : i32
        %ne3A_198 = arith.cmpi ne, %add3A_161, %add3A_179 : i32
        %or3A_199 = arith.constant false
        %or3A_200 = arith.ori %or3A_199, %ne3A_198 : i1
        %or3A_201 = arith.constant false
        %or3A_202 = arith.ori %or3A_200, %or3A_201 : i1
        %ge3A_203 = arith.constant 3 : i32
        %ge3A_204 = arith.cmpi sge, %scan3A_149, %ge3A_203 : i32
        %not3A_205 = arith.constant true
        %not3A_206 = arith.xori %ge3A_204, %not3A_205 : i1
        %and3A_207 = arith.andi %or3A_202, %not3A_206 : i1
        %convert_element_type3A_208 = arith.extui %and3A_207 : i1 to i32
        %cond3A_209 = arith.constant 0 : i32
        %cond3A_210 = arith.cmpi ne, %convert_element_type3A_208, %cond3A_209 : i32
        scf.if %cond3A_210 {
          "tpu.trace_start"() <{level = 10 : i32, message = "ep_copy_in"}> : () -> ()
          %rem3A_353 = arith.constant 2 : i32
          %rem3A_354 = arith.remui %scan3A_152, %rem3A_353 : i32
          %mul3A_355 = arith.constant 128 : i32
          %mul3A_356 = arith.muli %mul3A_355, %add3A_179 : i32
          %dma_start3A_357 = arith.constant 0 : i32
          %dma_start3A_358 = arith.constant 0 : i32
          %dma_start3A_359 = tpu.memref_slice %run_scoped3A_8[%rem3A_354, %dma_start3A_357, %dma_start3A_358] : memref<2x128x256xf32, #tpu.memory_space<vmem>> -> memref<1x128x256xf32, #tpu.memory_space<vmem>>
          %dma_start3A_360 = tpu.memref_squeeze %dma_start3A_359 : memref<1x128x256xf32, #tpu.memory_space<vmem>> -> memref<128x256xf32, #tpu.memory_space<vmem>>
          %dma_start3A_361 = arith.constant 0 : i32
          %dma_start3A_362 = tpu.memref_slice %arg4[%mul3A_356, %dma_start3A_361] : memref<16384x256xf32, #tpu.memory_space<hbm>> -> memref<128x256xf32, #tpu.memory_space<hbm>>
          %dma_start3A_363 = tpu.memref_slice %run_scoped3A_9[%rem3A_354] : memref<2x!tpu.dma_semaphore, #tpu.memory_space<semaphore_mem>> -> memref<1x!tpu.dma_semaphore, #tpu.memory_space<semaphore_mem>>
          %dma_start3A_364 = tpu.memref_squeeze %dma_start3A_363 : memref<1x!tpu.dma_semaphore, #tpu.memory_space<semaphore_mem>> -> memref<!tpu.dma_semaphore, #tpu.memory_space<semaphore_mem>>
          %dma_start3A_365 = arith.constant 0 : i32
          %dma_start3A_366 = arith.constant 0 : i32
          %dma_start3A_367 = tpu.memref_slice %run_scoped3A_8[%rem3A_354, %dma_start3A_365, %dma_start3A_366] : memref<2x128x256xf32, #tpu.memory_space<vmem>> -> memref<1x128x256xf32, #tpu.memory_space<vmem>>
          %dma_start3A_368 = tpu.memref_squeeze %dma_start3A_367 : memref<1x128x256xf32, #tpu.memory_space<vmem>> -> memref<128x256xf32, #tpu.memory_space<vmem>>
          %dma_start3A_369 = arith.constant 0 : i32
          %dma_start3A_370 = tpu.memref_slice %arg4[%mul3A_356, %dma_start3A_369] : memref<16384x256xf32, #tpu.memory_space<hbm>> -> memref<128x256xf32, #tpu.memory_space<hbm>>
          tpu.enqueue_dma source(%dma_start3A_370 : memref<128x256xf32, #tpu.memory_space<hbm>>) target(%dma_start3A_368 : memref<128x256xf32, #tpu.memory_space<vmem>>) target_semaphore(%dma_start3A_364 : memref<!tpu.dma_semaphore, #tpu.memory_space<semaphore_mem>>)
          "tpu.trace_stop"() : () -> ()
        } else {
        }
        %and3A_211 = arith.constant true
        %and3A_212 = arith.andi %and3A_207, %and3A_211 : i1
        %add3A_213 = arith.constant 1 : i32
        %add3A_214 = arith.addi %scan3A_152, %add3A_213 : i32
        %select_n3A_215 = arith.select %and3A_212, %add3A_214, %scan3A_152 : i32
        %ne3A_216 = arith.cmpi ne, %add3A_161, %add3A_179 : i32
        %or3A_217 = arith.constant false
        %or3A_218 = arith.ori %or3A_217, %ne3A_216 : i1
        %ge3A_219 = arith.constant 3 : i32
        %ge3A_220 = arith.cmpi sge, %scan3A_149, %ge3A_219 : i32
        %not3A_221 = arith.constant true
        %not3A_222 = arith.xori %ge3A_220, %not3A_221 : i1
        %and3A_223 = arith.andi %or3A_218, %not3A_222 : i1
        %ne3A_224 = arith.cmpi ne, %add3A_161, %add3A_170 : i32
        %or3A_225 = arith.constant false
        %or3A_226 = arith.ori %or3A_225, %ne3A_224 : i1
        %or3A_227 = arith.ori %or3A_226, %eq3A_158 : i1
        %convert_element_type3A_228 = arith.extui %or3A_227 : i1 to i32
        %cond3A_229 = arith.constant 0 : i32
        %cond3A_230 = arith.cmpi ne, %convert_element_type3A_228, %cond3A_229 : i32
        scf.if %cond3A_230 {
          "tpu.trace_start"() <{level = 10 : i32, message = "ep_wait_in"}> : () -> ()
          %mul3A_353 = arith.constant 128 : i32
          %mul3A_354 = arith.muli %mul3A_353, %add3A_161 : i32
          %rem3A_355 = arith.constant 2 : i32
          %rem3A_356 = arith.remui %scan3A_151, %rem3A_355 : i32
          %dma_wait3A_357 = arith.constant 0 : i32
          %dma_wait3A_358 = arith.constant 0 : i32
          %dma_wait3A_359 = tpu.memref_slice %run_scoped3A[%rem3A_356, %dma_wait3A_357, %dma_wait3A_358] : memref<2x1x128xi32, #tpu.memory_space<vmem>> -> memref<1x1x128xi32, #tpu.memory_space<vmem>>
          %dma_wait3A_360 = tpu.memref_squeeze %dma_wait3A_359 : memref<1x1x128xi32, #tpu.memory_space<vmem>> -> memref<1x128xi32, #tpu.memory_space<vmem>>
          %dma_wait3A_361 = arith.constant 0 : i32
          %dma_wait3A_362 = tpu.memref_slice %arg3[%dma_wait3A_361, %mul3A_354] : memref<1x16384xi32, #tpu.memory_space<hbm>> -> memref<1x128xi32, #tpu.memory_space<hbm>>
          %dma_wait3A_363 = tpu.memref_slice %run_scoped3A_7[%rem3A_356] : memref<2x!tpu.dma_semaphore, #tpu.memory_space<semaphore_mem>> -> memref<1x!tpu.dma_semaphore, #tpu.memory_space<semaphore_mem>>
          %dma_wait3A_364 = tpu.memref_squeeze %dma_wait3A_363 : memref<1x!tpu.dma_semaphore, #tpu.memory_space<semaphore_mem>> -> memref<!tpu.dma_semaphore, #tpu.memory_space<semaphore_mem>>
          %dma_wait3A_365 = arith.constant 0 : i32
          %dma_wait3A_366 = arith.constant 0 : i32
          %dma_wait3A_367 = tpu.memref_slice %run_scoped3A[%rem3A_356, %dma_wait3A_365, %dma_wait3A_366] : memref<2x1x128xi32, #tpu.memory_space<vmem>> -> memref<1x1x128xi32, #tpu.memory_space<vmem>>
          %dma_wait3A_368 = tpu.memref_squeeze %dma_wait3A_367 : memref<1x1x128xi32, #tpu.memory_space<vmem>> -> memref<1x128xi32, #tpu.memory_space<vmem>>
          %dma_wait3A_369 = arith.constant 0 : i32
          %dma_wait3A_370 = tpu.memref_slice %arg3[%dma_wait3A_369, %mul3A_354] : memref<1x16384xi32, #tpu.memory_space<hbm>> -> memref<1x128xi32, #tpu.memory_space<hbm>>
          tpu.wait_dma2 semaphore(%dma_wait3A_364 : memref<!tpu.dma_semaphore, #tpu.memory_space<semaphore_mem>>) src(%dma_wait3A_370 : memref<1x128xi32, #tpu.memory_space<hbm>>) dst(%dma_wait3A_368 : memref<1x128xi32, #tpu.memory_space<vmem>>)
          "tpu.trace_stop"() : () -> ()
        } else {
        }
        %ne3A_231 = arith.cmpi ne, %add3A_161, %add3A_170 : i32
        %or3A_232 = arith.constant false
        %or3A_233 = arith.ori %or3A_232, %ne3A_231 : i1
        %or3A_234 = arith.constant false
        %or3A_235 = arith.ori %or3A_233, %or3A_234 : i1
        %or3A_236 = arith.ori %or3A_235, %eq3A_158 : i1
        %convert_element_type3A_237 = arith.extui %or3A_236 : i1 to i32
        %cond3A_238 = arith.constant 0 : i32
        %cond3A_239 = arith.cmpi ne, %convert_element_type3A_237, %cond3A_238 : i32
        scf.if %cond3A_239 {
          "tpu.trace_start"() <{level = 10 : i32, message = "ep_wait_in"}> : () -> ()
          %mul3A_353 = arith.constant 128 : i32
          %mul3A_354 = arith.muli %mul3A_353, %add3A_161 : i32
          %rem3A_355 = arith.constant 2 : i32
          %rem3A_356 = arith.remui %scan3A_153, %rem3A_355 : i32
          %dma_wait3A_357 = arith.constant 0 : i32
          %dma_wait3A_358 = arith.constant 0 : i32
          %dma_wait3A_359 = tpu.memref_slice %run_scoped3A_8[%rem3A_356, %dma_wait3A_357, %dma_wait3A_358] : memref<2x128x256xf32, #tpu.memory_space<vmem>> -> memref<1x128x256xf32, #tpu.memory_space<vmem>>
          %dma_wait3A_360 = tpu.memref_squeeze %dma_wait3A_359 : memref<1x128x256xf32, #tpu.memory_space<vmem>> -> memref<128x256xf32, #tpu.memory_space<vmem>>
          %dma_wait3A_361 = arith.constant 0 : i32
          %dma_wait3A_362 = tpu.memref_slice %arg4[%mul3A_354, %dma_wait3A_361] : memref<16384x256xf32, #tpu.memory_space<hbm>> -> memref<128x256xf32, #tpu.memory_space<hbm>>
          %dma_wait3A_363 = tpu.memref_slice %run_scoped3A_9[%rem3A_356] : memref<2x!tpu.dma_semaphore, #tpu.memory_space<semaphore_mem>> -> memref<1x!tpu.dma_semaphore, #tpu.memory_space<semaphore_mem>>
          %dma_wait3A_364 = tpu.memref_squeeze %dma_wait3A_363 : memref<1x!tpu.dma_semaphore, #tpu.memory_space<semaphore_mem>> -> memref<!tpu.dma_semaphore, #tpu.memory_space<semaphore_mem>>
          %dma_wait3A_365 = arith.constant 0 : i32
          %dma_wait3A_366 = arith.constant 0 : i32
          %dma_wait3A_367 = tpu.memref_slice %run_scoped3A_8[%rem3A_356, %dma_wait3A_365, %dma_wait3A_366] : memref<2x128x256xf32, #tpu.memory_space<vmem>> -> memref<1x128x256xf32, #tpu.memory_space<vmem>>
          %dma_wait3A_368 = tpu.memref_squeeze %dma_wait3A_367 : memref<1x128x256xf32, #tpu.memory_space<vmem>> -> memref<128x256xf32, #tpu.memory_space<vmem>>
          %dma_wait3A_369 = arith.constant 0 : i32
          %dma_wait3A_370 = tpu.memref_slice %arg4[%mul3A_354, %dma_wait3A_369] : memref<16384x256xf32, #tpu.memory_space<hbm>> -> memref<128x256xf32, #tpu.memory_space<hbm>>
          tpu.wait_dma2 semaphore(%dma_wait3A_364 : memref<!tpu.dma_semaphore, #tpu.memory_space<semaphore_mem>>) src(%dma_wait3A_370 : memref<128x256xf32, #tpu.memory_space<hbm>>) dst(%dma_wait3A_368 : memref<128x256xf32, #tpu.memory_space<vmem>>)
          "tpu.trace_stop"() : () -> ()
        } else {
        }
        %ne3A_240 = arith.cmpi ne, %add3A_161, %add3A_170 : i32
        %or3A_241 = arith.constant false
        %or3A_242 = arith.ori %or3A_241, %ne3A_240 : i1
        %or3A_243 = arith.ori %or3A_242, %eq3A_158 : i1
        %convert_element_type3A_244 = arith.extui %or3A_243 : i1 to i32
        %cond3A_245 = arith.constant 0 : i32
        %cond3A_246 = arith.cmpi ne, %convert_element_type3A_244, %cond3A_245 : i32
        scf.if %cond3A_246 {
        } else {
        }
        %rem3A_247 = arith.constant 2 : i32
        %rem3A_248 = arith.remui %scan3A_151, %rem3A_247 : i32
        %rem3A_249 = arith.constant 2 : i32
        %rem3A_250 = arith.remui %scan3A_153, %rem3A_249 : i32
        %rem3A_251 = arith.constant 2 : i32
        %rem3A_252 = arith.remui %scan3A_154, %rem3A_251 : i32
        %run_scoped3A_253 = arith.constant 0 : i32
        "tpu.trace_start"() <{level = 10 : i32, message = "ep_run_kernel"}> : () -> ()
        "tpu.region"() ({
          %run_scoped3A_353 = tpu.sem_alloc : memref<!tpu.dma_semaphore, #tpu.memory_space<semaphore_mem>>
          %dma_start3A_354 = arith.constant 0 : i32
          %dma_start3A_355 = arith.constant 0 : i32
          %dma_start3A_356 = tpu.memref_slice %run_scoped3A[%rem3A_248, %dma_start3A_354, %dma_start3A_355] : memref<2x1x128xi32, #tpu.memory_space<vmem>> -> memref<1x1x128xi32, #tpu.memory_space<vmem>>
          %dma_start3A_357 = tpu.memref_squeeze %dma_start3A_356 : memref<1x1x128xi32, #tpu.memory_space<vmem>> -> memref<1x128xi32, #tpu.memory_space<vmem>>
          %dma_start3A_358 = arith.constant 0 : i32
          %dma_start3A_359 = tpu.memref_slice %dma_start3A_357[%run_scoped3A_253, %dma_start3A_358] : memref<1x128xi32, #tpu.memory_space<vmem>> -> memref<1x128xi32, #tpu.memory_space<vmem>>
          %dma_start3A_360 = tpu.memref_squeeze %dma_start3A_359 : memref<1x128xi32, #tpu.memory_space<vmem>> -> memref<128xi32, #tpu.memory_space<vmem>>
          %dma_start3A_361 = arith.constant 0 : i32
          %dma_start3A_362 = arith.constant 0 : i32
          %dma_start3A_363 = tpu.memref_slice %arg2[%dma_start3A_361, %dma_start3A_362] : memref<5532x256xf32, #tpu.memory_space<hbm>> -> memref<5532x256xf32, #tpu.memory_space<hbm>>
          tpu.enqueue_indirect_dma source(%dma_start3A_363 : memref<5532x256xf32, #tpu.memory_space<hbm>>) target(%arg6 : memref<128x256xf32, #tpu.memory_space<vmem>>) offsets(%dma_start3A_360 : memref<128xi32, #tpu.memory_space<vmem>>) semaphore(%run_scoped3A_353 : memref<!tpu.dma_semaphore, #tpu.memory_space<semaphore_mem>>)
          %dma_wait3A_364 = arith.constant 0 : i32
          %dma_wait3A_365 = arith.constant 0 : i32
          %dma_wait3A_366 = tpu.memref_slice %run_scoped3A[%rem3A_248, %dma_wait3A_364, %dma_wait3A_365] : memref<2x1x128xi32, #tpu.memory_space<vmem>> -> memref<1x1x128xi32, #tpu.memory_space<vmem>>
          %dma_wait3A_367 = tpu.memref_squeeze %dma_wait3A_366 : memref<1x1x128xi32, #tpu.memory_space<vmem>> -> memref<1x128xi32, #tpu.memory_space<vmem>>
          %dma_wait3A_368 = arith.constant 0 : i32
          %dma_wait3A_369 = tpu.memref_slice %dma_wait3A_367[%run_scoped3A_253, %dma_wait3A_368] : memref<1x128xi32, #tpu.memory_space<vmem>> -> memref<1x128xi32, #tpu.memory_space<vmem>>
          %dma_wait3A_370 = tpu.memref_squeeze %dma_wait3A_369 : memref<1x128xi32, #tpu.memory_space<vmem>> -> memref<128xi32, #tpu.memory_space<vmem>>
          %dma_wait3A_371 = arith.constant 0 : i32
          %dma_wait3A_372 = arith.constant 0 : i32
          %dma_wait3A_373 = tpu.memref_slice %arg2[%dma_wait3A_371, %dma_wait3A_372] : memref<5532x256xf32, #tpu.memory_space<hbm>> -> memref<5532x256xf32, #tpu.memory_space<hbm>>
          tpu.wait_indirect_dma semaphore(%run_scoped3A_353 : memref<!tpu.dma_semaphore, #tpu.memory_space<semaphore_mem>>) src(%dma_wait3A_373 : memref<5532x256xf32, #tpu.memory_space<hbm>>) dst(%arg6 : memref<128x256xf32, #tpu.memory_space<vmem>>)
          tpu.yield
        }) : () -> ()
        %scan3A_254 = arith.constant 0 : i32
        %scan3A_255 = arith.constant 8 : i32
        %scan3A_256 = arith.addi %scan3A_254, %scan3A_255 : i32
        %scan3A_257 = arith.constant 1 : i32
        scf.for %scan3A_353 = %scan3A_254 to %scan3A_256 step %scan3A_257  : i32 {
          %mul3A_354 = arith.constant 16 : i32
          %mul3A_355 = arith.muli %scan3A_353, %mul3A_354 : i32
          %add3A_356 = arith.constant 0 : i32
          %add3A_357 = arith.addi %add3A_356, %mul3A_355 : i32
          %broadcast_in_dim3A = arith.constant 0.000000e+00 : f32
          %broadcast_in_dim3A_358 = vector.broadcast %broadcast_in_dim3A : f32 to vector<16xf32>
          %scan3A_359 = arith.constant 0 : i32
          %scan3A_360 = arith.constant 16 : i32
          %scan3A_361 = arith.addi %scan3A_359, %scan3A_360 : i32
          %scan3A_362 = arith.constant 1 : i32
          %scan3A_363 = scf.for %scan3A_372 = %scan3A_359 to %scan3A_361 step %scan3A_362 iter_args(%scan3A_373 = %broadcast_in_dim3A_358) -> (vector<16xf32>)  : i32 {
            %broadcast_in_dim3A_374 = arith.constant 0.000000e+00 : f32
            %broadcast_in_dim3A_375 = vector.broadcast %broadcast_in_dim3A_374 : f32 to vector<16xf32>
            %scan3A_376 = arith.constant 0 : i32
            %scan3A_377 = arith.constant 16 : i32
            %scan3A_378 = arith.addi %scan3A_376, %scan3A_377 : i32
            %scan3A_379 = arith.constant 1 : i32
            %scan3A_380 = scf.for %scan3A_389 = %scan3A_376 to %scan3A_378 step %scan3A_379 iter_args(%scan3A_390 = %broadcast_in_dim3A_375) -> (vector<16xf32>)  : i32 {
              %mul3A_391 = arith.constant 16 : i32
              %mul3A_392 = arith.muli %scan3A_389, %mul3A_391 : i32
              %add3A_393 = arith.addi %add3A_357, %scan3A_372 : i32
              %get3A = arith.constant 0 : i32
              %get3A_394 = arith.constant 0 : i32
              %get3A_395 = tpu.memref_slice %run_scoped3A_8[%rem3A_250, %get3A, %get3A_394] : memref<2x128x256xf32, #tpu.memory_space<vmem>> -> memref<1x128x256xf32, #tpu.memory_space<vmem>>
              %get3A_396 = tpu.memref_squeeze %get3A_395 : memref<1x128x256xf32, #tpu.memory_space<vmem>> -> memref<128x256xf32, #tpu.memory_space<vmem>>
              %get3A_397 = arith.index_cast %add3A_393 : i32 to index
              %get3A_398 = arith.index_cast %mul3A_392 : i32 to index
              %get3A_399 = tpu.vector_load %get3A_396[%get3A_397, %get3A_398] {strides = array<i32>} : memref<128x256xf32, #tpu.memory_space<vmem>>, vector<16xf32>,
              %add3A_400 = arith.addi %add3A_357, %scan3A_372 : i32
              %get3A_401 = arith.index_cast %add3A_400 : i32 to index
              %get3A_402 = arith.index_cast %mul3A_392 : i32 to index
              %get3A_403 = tpu.vector_load %arg6[%get3A_401, %get3A_402] {strides = array<i32>} : memref<128x256xf32, #tpu.memory_space<vmem>>, vector<16xf32>,
              %mul3A_404 = arith.mulf %get3A_399, %get3A_403 : vector<16xf32>
              %add3A_405 = arith.addf %scan3A_390, %mul3A_404 : vector<16xf32>
              scf.yield %add3A_405 : vector<16xf32>
            }
            %scan3A_381 = arith.constant 16 : i32
            %iota3A = tpu.iota {dimensions = array<i32: 0>} : vector<16xi32>
            %eq3A_382 = vector.broadcast %scan3A_372 : i32 to vector<16xi32>
            %eq3A_383 = arith.cmpi eq, %iota3A, %eq3A_382 : vector<16xi32>
            %reduce_sum3A = arith.constant true
            %reduce_sum3A_384 = vector.broadcast %reduce_sum3A : i1 to vector<16xi1>
            %reduce_sum3A_385 = tpu.scan <sum>, %scan3A_380 masked %reduce_sum3A_384 : vector<16xf32>, vector<16xi1> -> vector<16xf32>
            %reduce_sum3A_386 = vector.extract %reduce_sum3A_385[15] : f32 from vector<16xf32>
            %broadcast_in_dim3A_387 = vector.broadcast %reduce_sum3A_386 : f32 to vector<16xf32>
            %select_n3A_388 = arith.select %eq3A_383, %broadcast_in_dim3A_387, %scan3A_373 : vector<16xi1>, vector<16xf32>
            scf.yield %select_n3A_388 : vector<16xf32>
          }
          %scan3A_364 = arith.constant 16 : i32
          %swap3A = arith.constant 0 : i32
          %swap3A_365 = arith.constant 0 : i32
          %swap3A_366 = arith.constant 0 : i32
          %swap3A_367 = tpu.memref_slice %run_scoped3A_10[%rem3A_252, %swap3A_365, %swap3A_366] : memref<2x1x128xf32, #tpu.memory_space<vmem>> -> memref<1x1x128xf32, #tpu.memory_space<vmem>>
          %swap3A_368 = tpu.memref_squeeze %swap3A_367 : memref<1x1x128xf32, #tpu.memory_space<vmem>> -> memref<1x128xf32, #tpu.memory_space<vmem>>
          %swap3A_369 = arith.index_cast %swap3A : i32 to index
          %swap3A_370 = arith.index_cast %add3A_357 : i32 to index
          %swap3A_371 = tpu.vector_load %swap3A_368[%swap3A_369, %swap3A_370] {strides = array<i32>} : memref<1x128xf32, #tpu.memory_space<vmem>>, vector<16xf32>,
          tpu.vector_store %swap3A_368[%swap3A_369, %swap3A_370], %scan3A_363 {strides = array<i32>} : memref<1x128xf32, #tpu.memory_space<vmem>>, vector<16xf32>,
        }
        %scan3A_258 = arith.constant 8 : i32
        "tpu.trace_stop"() : () -> ()
        %ne3A_259 = arith.cmpi ne, %add3A_161, %add3A_179 : i32
        %or3A_260 = arith.constant false
        %or3A_261 = arith.ori %or3A_260, %ne3A_259 : i1
        %or3A_262 = arith.ori %or3A_261, %eq3A_160 : i1
        %convert_element_type3A_263 = arith.extui %or3A_262 : i1 to i32
        %cond3A_264 = arith.constant 0 : i32
        %cond3A_265 = arith.cmpi ne, %convert_element_type3A_263, %cond3A_264 : i32
        scf.if %cond3A_265 {
        } else {
        }
        %and3A_266 = arith.constant false
        %and3A_267 = arith.andi %or3A_262, %and3A_266 : i1
        %ne3A_268 = arith.cmpi ne, %add3A_161, %add3A_179 : i32
        %or3A_269 = arith.constant false
        %or3A_270 = arith.ori %or3A_269, %ne3A_268 : i1
        %or3A_271 = arith.constant false
        %or3A_272 = arith.ori %or3A_270, %or3A_271 : i1
        %or3A_273 = arith.ori %or3A_272, %eq3A_160 : i1
        %convert_element_type3A_274 = arith.extui %or3A_273 : i1 to i32
        %cond3A_275 = arith.constant 0 : i32
        %cond3A_276 = arith.cmpi ne, %convert_element_type3A_274, %cond3A_275 : i32
        scf.if %cond3A_276 {
        } else {
        }
        %and3A_277 = arith.constant false
        %and3A_278 = arith.andi %or3A_273, %and3A_277 : i1
        %ne3A_279 = arith.cmpi ne, %add3A_161, %add3A_179 : i32
        %or3A_280 = arith.constant false
        %or3A_281 = arith.ori %or3A_280, %ne3A_279 : i1
        %or3A_282 = arith.ori %or3A_281, %eq3A_160 : i1
        %convert_element_type3A_283 = arith.extui %or3A_282 : i1 to i32
        %cond3A_284 = arith.constant 0 : i32
        %cond3A_285 = arith.cmpi ne, %convert_element_type3A_283, %cond3A_284 : i32
        scf.if %cond3A_285 {
          "tpu.trace_start"() <{level = 10 : i32, message = "ep_copy_out"}> : () -> ()
          %rem3A_353 = arith.constant 2 : i32
          %rem3A_354 = arith.remui %scan3A_154, %rem3A_353 : i32
          %mul3A_355 = arith.constant 128 : i32
          %mul3A_356 = arith.muli %mul3A_355, %add3A_161 : i32
          %dma_start3A_357 = arith.constant 0 : i32
          %dma_start3A_358 = arith.constant 0 : i32
          %dma_start3A_359 = tpu.memref_slice %run_scoped3A_10[%rem3A_354, %dma_start3A_357, %dma_start3A_358] : memref<2x1x128xf32, #tpu.memory_space<vmem>> -> memref<1x1x128xf32, #tpu.memory_space<vmem>>
          %dma_start3A_360 = tpu.memref_squeeze %dma_start3A_359 : memref<1x1x128xf32, #tpu.memory_space<vmem>> -> memref<1x128xf32, #tpu.memory_space<vmem>>
          %dma_start3A_361 = arith.constant 0 : i32
          %dma_start3A_362 = tpu.memref_slice %arg5[%dma_start3A_361, %mul3A_356] : memref<1x16384xf32, #tpu.memory_space<hbm>> -> memref<1x128xf32, #tpu.memory_space<hbm>>
          %dma_start3A_363 = tpu.memref_slice %run_scoped3A_11[%rem3A_354] : memref<2x!tpu.dma_semaphore, #tpu.memory_space<semaphore_mem>> -> memref<1x!tpu.dma_semaphore, #tpu.memory_space<semaphore_mem>>
          %dma_start3A_364 = tpu.memref_squeeze %dma_start3A_363 : memref<1x!tpu.dma_semaphore, #tpu.memory_space<semaphore_mem>> -> memref<!tpu.dma_semaphore, #tpu.memory_space<semaphore_mem>>
          %dma_start3A_365 = arith.constant 0 : i32
          %dma_start3A_366 = tpu.memref_slice %arg5[%dma_start3A_365, %mul3A_356] : memref<1x16384xf32, #tpu.memory_space<hbm>> -> memref<1x128xf32, #tpu.memory_space<hbm>>
          %dma_start3A_367 = arith.constant 0 : i32
          %dma_start3A_368 = arith.constant 0 : i32
          %dma_start3A_369 = tpu.memref_slice %run_scoped3A_10[%rem3A_354, %dma_start3A_367, %dma_start3A_368] : memref<2x1x128xf32, #tpu.memory_space<vmem>> -> memref<1x1x128xf32, #tpu.memory_space<vmem>>
          %dma_start3A_370 = tpu.memref_squeeze %dma_start3A_369 : memref<1x1x128xf32, #tpu.memory_space<vmem>> -> memref<1x128xf32, #tpu.memory_space<vmem>>
          tpu.enqueue_dma source(%dma_start3A_370 : memref<1x128xf32, #tpu.memory_space<vmem>>) target(%dma_start3A_366 : memref<1x128xf32, #tpu.memory_space<hbm>>) target_semaphore(%dma_start3A_364 : memref<!tpu.dma_semaphore, #tpu.memory_space<semaphore_mem>>)
          "tpu.trace_stop"() : () -> ()
        } else {
        }
        %and3A_286 = arith.constant true
        %and3A_287 = arith.andi %or3A_282, %and3A_286 : i1
        %add3A_288 = arith.constant 1 : i32
        %add3A_289 = arith.addi %scan3A_154, %add3A_288 : i32
        %select_n3A_290 = arith.select %and3A_287, %add3A_289, %scan3A_154 : i32
        %ne3A_291 = arith.cmpi ne, %add3A_161, %add3A_170 : i32
        %or3A_292 = arith.constant false
        %or3A_293 = arith.ori %or3A_292, %ne3A_291 : i1
        %not3A_294 = arith.constant true
        %not3A_295 = arith.xori %eq3A_158, %not3A_294 : i1
        %and3A_296 = arith.andi %or3A_293, %not3A_295 : i1
        %convert_element_type3A_297 = arith.extui %and3A_296 : i1 to i32
        %cond3A_298 = arith.constant 0 : i32
        %cond3A_299 = arith.cmpi ne, %convert_element_type3A_297, %cond3A_298 : i32
        scf.if %cond3A_299 {
        } else {
        }
        %and3A_300 = arith.constant false
        %and3A_301 = arith.andi %and3A_296, %and3A_300 : i1
        %ne3A_302 = arith.cmpi ne, %add3A_161, %add3A_170 : i32
        %or3A_303 = arith.constant false
        %or3A_304 = arith.ori %or3A_303, %ne3A_302 : i1
        %or3A_305 = arith.constant false
        %or3A_306 = arith.ori %or3A_304, %or3A_305 : i1
        %not3A_307 = arith.constant true
        %not3A_308 = arith.xori %eq3A_158, %not3A_307 : i1
        %and3A_309 = arith.andi %or3A_306, %not3A_308 : i1
        %convert_element_type3A_310 = arith.extui %and3A_309 : i1 to i32
        %cond3A_311 = arith.constant 0 : i32
        %cond3A_312 = arith.cmpi ne, %convert_element_type3A_310, %cond3A_311 : i32
        scf.if %cond3A_312 {
        } else {
        }
        %and3A_313 = arith.constant false
        %and3A_314 = arith.andi %and3A_309, %and3A_313 : i1
        %ne3A_315 = arith.cmpi ne, %add3A_161, %add3A_170 : i32
        %or3A_316 = arith.constant false
        %or3A_317 = arith.ori %or3A_316, %ne3A_315 : i1
        %not3A_318 = arith.constant true
        %not3A_319 = arith.xori %eq3A_158, %not3A_318 : i1
        %and3A_320 = arith.andi %or3A_317, %not3A_319 : i1
        %convert_element_type3A_321 = arith.extui %and3A_320 : i1 to i32
        %cond3A_322 = arith.constant 0 : i32
        %cond3A_323 = arith.cmpi ne, %convert_element_type3A_321, %cond3A_322 : i32
        scf.if %cond3A_323 {
          "tpu.trace_start"() <{level = 10 : i32, message = "ep_wait_out"}> : () -> ()
          %rem3A_353 = arith.constant 2 : i32
          %rem3A_354 = arith.remui %scan3A_155, %rem3A_353 : i32
          %mul3A_355 = arith.constant 128 : i32
          %mul3A_356 = arith.muli %mul3A_355, %add3A_170 : i32
          %dma_wait3A_357 = arith.constant 0 : i32
          %dma_wait3A_358 = arith.constant 0 : i32
          %dma_wait3A_359 = tpu.memref_slice %run_scoped3A_10[%rem3A_354, %dma_wait3A_357, %dma_wait3A_358] : memref<2x1x128xf32, #tpu.memory_space<vmem>> -> memref<1x1x128xf32, #tpu.memory_space<vmem>>
          %dma_wait3A_360 = tpu.memref_squeeze %dma_wait3A_359 : memref<1x1x128xf32, #tpu.memory_space<vmem>> -> memref<1x128xf32, #tpu.memory_space<vmem>>
          %dma_wait3A_361 = arith.constant 0 : i32
          %dma_wait3A_362 = tpu.memref_slice %arg5[%dma_wait3A_361, %mul3A_356] : memref<1x16384xf32, #tpu.memory_space<hbm>> -> memref<1x128xf32, #tpu.memory_space<hbm>>
          %dma_wait3A_363 = tpu.memref_slice %run_scoped3A_11[%rem3A_354] : memref<2x!tpu.dma_semaphore, #tpu.memory_space<semaphore_mem>> -> memref<1x!tpu.dma_semaphore, #tpu.memory_space<semaphore_mem>>
          %dma_wait3A_364 = tpu.memref_squeeze %dma_wait3A_363 : memref<1x!tpu.dma_semaphore, #tpu.memory_space<semaphore_mem>> -> memref<!tpu.dma_semaphore, #tpu.memory_space<semaphore_mem>>
          %dma_wait3A_365 = arith.constant 0 : i32
          %dma_wait3A_366 = tpu.memref_slice %arg5[%dma_wait3A_365, %mul3A_356] : memref<1x16384xf32, #tpu.memory_space<hbm>> -> memref<1x128xf32, #tpu.memory_space<hbm>>
          %dma_wait3A_367 = arith.constant 0 : i32
          %dma_wait3A_368 = arith.constant 0 : i32
          %dma_wait3A_369 = tpu.memref_slice %run_scoped3A_10[%rem3A_354, %dma_wait3A_367, %dma_wait3A_368] : memref<2x1x128xf32, #tpu.memory_space<vmem>> -> memref<1x1x128xf32, #tpu.memory_space<vmem>>
          %dma_wait3A_370 = tpu.memref_squeeze %dma_wait3A_369 : memref<1x1x128xf32, #tpu.memory_space<vmem>> -> memref<1x128xf32, #tpu.memory_space<vmem>>
          tpu.wait_dma2 semaphore(%dma_wait3A_364 : memref<!tpu.dma_semaphore, #tpu.memory_space<semaphore_mem>>) src(%dma_wait3A_370 : memref<1x128xf32, #tpu.memory_space<vmem>>) dst(%dma_wait3A_366 : memref<1x128xf32, #tpu.memory_space<hbm>>)
          "tpu.trace_stop"() : () -> ()
        } else {
        }
        %and3A_324 = arith.constant true
        %and3A_325 = arith.andi %and3A_320, %and3A_324 : i1
        %add3A_326 = arith.constant 1 : i32
        %add3A_327 = arith.addi %scan3A_155, %add3A_326 : i32
        %select_n3A_328 = arith.select %and3A_325, %add3A_327, %scan3A_155 : i32
        %ne3A_329 = arith.cmpi ne, %add3A_161, %add3A_179 : i32
        %or3A_330 = arith.constant false
        %or3A_331 = arith.ori %or3A_330, %ne3A_329 : i1
        %or3A_332 = arith.ori %or3A_331, %eq3A_160 : i1
        %add3A_333 = arith.constant 1 : i32
        %add3A_334 = arith.addi %scan3A_151, %add3A_333 : i32
        %select_n3A_335 = arith.select %or3A_332, %add3A_334, %scan3A_151 : i32
        %ne3A_336 = arith.cmpi ne, %add3A_161, %add3A_179 : i32
        %or3A_337 = arith.constant false
        %or3A_338 = arith.ori %or3A_337, %ne3A_336 : i1
        %or3A_339 = arith.constant false
        %or3A_340 = arith.ori %or3A_338, %or3A_339 : i1
        %or3A_341 = arith.ori %or3A_340, %eq3A_160 : i1
        %add3A_342 = arith.constant 1 : i32
        %add3A_343 = arith.addi %scan3A_153, %add3A_342 : i32
        %select_n3A_344 = arith.select %or3A_341, %add3A_343, %scan3A_153 : i32
        %add3A_345 = arith.constant 1 : i32
        %add3A_346 = arith.addi %scan3A_156, %add3A_345 : i32
        %select_n3A_347 = arith.constant true
        %select_n3A_348 = arith.select %select_n3A_347, %add3A_346, %scan3A_156 : i32
        %eq3A_349 = arith.constant 4 : i32
        %eq3A_350 = arith.cmpi eq, %select_n3A_348, %eq3A_349 : i32
        %select_n3A_351 = arith.constant 0 : i32
        %select_n3A_352 = arith.select %eq3A_350, %select_n3A_351, %select_n3A_348 : i32
        scf.yield %select_n3A_197, %select_n3A_335, %select_n3A_215, %select_n3A_344, %select_n3A_290, %select_n3A_328, %select_n3A_352 : i32, i32, i32, i32, i32, i32, i32
      }
      %scan3A_96 = arith.constant 4 : i32
      %sub3A = arith.constant 1 : i32
      %sub3A_97 = arith.subi %scan3A_95#6, %sub3A : i32
      %select_n3A_98 = arith.constant true
      %select_n3A_99 = arith.select %select_n3A_98, %sub3A_97, %scan3A_95#6 : i32
      %eq3A_100 = arith.constant -1 : i32
      %eq3A_101 = arith.cmpi eq, %select_n3A_99, %eq3A_100 : i32
      %select_n3A_102 = arith.constant 3 : i32
      %select_n3A_103 = arith.select %eq3A_101, %select_n3A_102, %select_n3A_99 : i32
      %add3A_104 = arith.addi %select_n3A_103, %mul3A_6 : i32
      %sub3A_105 = arith.constant 1 : i32
      %sub3A_106 = arith.subi %select_n3A_103, %sub3A_105 : i32
      %select_n3A_107 = arith.constant true
      %select_n3A_108 = arith.select %select_n3A_107, %sub3A_106, %select_n3A_103 : i32
      %eq3A_109 = arith.constant -1 : i32
      %eq3A_110 = arith.cmpi eq, %select_n3A_108, %eq3A_109 : i32
      %select_n3A_111 = arith.constant 3 : i32
      %select_n3A_112 = arith.select %eq3A_110, %select_n3A_111, %select_n3A_108 : i32
      %add3A_113 = arith.addi %select_n3A_112, %mul3A_6 : i32
      %add3A_114 = arith.constant 1 : i32
      %add3A_115 = arith.addi %select_n3A_103, %add3A_114 : i32
      %select_n3A_116 = arith.constant true
      %select_n3A_117 = arith.select %select_n3A_116, %add3A_115, %select_n3A_103 : i32
      %eq3A_118 = arith.constant 4 : i32
      %eq3A_119 = arith.cmpi eq, %select_n3A_117, %eq3A_118 : i32
      %select_n3A_120 = arith.constant 0 : i32
      %select_n3A_121 = arith.select %eq3A_119, %select_n3A_120, %select_n3A_117 : i32
      %add3A_122 = arith.addi %select_n3A_121, %mul3A_6 : i32
      %add3A_123 = arith.constant 1 : i32
      %add3A_124 = arith.addi %select_n3A_121, %add3A_123 : i32
      %select_n3A_125 = arith.constant true
      %select_n3A_126 = arith.select %select_n3A_125, %add3A_124, %select_n3A_121 : i32
      %eq3A_127 = arith.constant 4 : i32
      %eq3A_128 = arith.cmpi eq, %select_n3A_126, %eq3A_127 : i32
      %select_n3A_129 = arith.constant 0 : i32
      %select_n3A_130 = arith.select %eq3A_128, %select_n3A_129, %select_n3A_126 : i32
      %add3A_131 = arith.addi %select_n3A_130, %mul3A_6 : i32
      "tpu.trace_start"() <{level = 10 : i32, message = "ep_finalize"}> : () -> ()
      %rem3A_132 = arith.constant 2 : i32
      %rem3A_133 = arith.remui %scan3A_95#5, %rem3A_132 : i32
      %mul3A_134 = arith.constant 128 : i32
      %mul3A_135 = arith.muli %mul3A_134, %add3A_104 : i32
      %dma_wait3A = arith.constant 0 : i32
      %dma_wait3A_136 = arith.constant 0 : i32
      %dma_wait3A_137 = tpu.memref_slice %run_scoped3A_10[%rem3A_133, %dma_wait3A, %dma_wait3A_136] : memref<2x1x128xf32, #tpu.memory_space<vmem>> -> memref<1x1x128xf32, #tpu.memory_space<vmem>>
      %dma_wait3A_138 = tpu.memref_squeeze %dma_wait3A_137 : memref<1x1x128xf32, #tpu.memory_space<vmem>> -> memref<1x128xf32, #tpu.memory_space<vmem>>
      %dma_wait3A_139 = arith.constant 0 : i32
      %dma_wait3A_140 = tpu.memref_slice %arg5[%dma_wait3A_139, %mul3A_135] : memref<1x16384xf32, #tpu.memory_space<hbm>> -> memref<1x128xf32, #tpu.memory_space<hbm>>
      %dma_wait3A_141 = tpu.memref_slice %run_scoped3A_11[%rem3A_133] : memref<2x!tpu.dma_semaphore, #tpu.memory_space<semaphore_mem>> -> memref<1x!tpu.dma_semaphore, #tpu.memory_space<semaphore_mem>>
      %dma_wait3A_142 = tpu.memref_squeeze %dma_wait3A_141 : memref<1x!tpu.dma_semaphore, #tpu.memory_space<semaphore_mem>> -> memref<!tpu.dma_semaphore, #tpu.memory_space<semaphore_mem>>
      %dma_wait3A_143 = arith.constant 0 : i32
      %dma_wait3A_144 = tpu.memref_slice %arg5[%dma_wait3A_143, %mul3A_135] : memref<1x16384xf32, #tpu.memory_space<hbm>> -> memref<1x128xf32, #tpu.memory_space<hbm>>
      %dma_wait3A_145 = arith.constant 0 : i32
      %dma_wait3A_146 = arith.constant 0 : i32
      %dma_wait3A_147 = tpu.memref_slice %run_scoped3A_10[%rem3A_133, %dma_wait3A_145, %dma_wait3A_146] : memref<2x1x128xf32, #tpu.memory_space<vmem>> -> memref<1x1x128xf32, #tpu.memory_space<vmem>>
      %dma_wait3A_148 = tpu.memref_squeeze %dma_wait3A_147 : memref<1x1x128xf32, #tpu.memory_space<vmem>> -> memref<1x128xf32, #tpu.memory_space<vmem>>
      tpu.wait_dma2 semaphore(%dma_wait3A_142 : memref<!tpu.dma_semaphore, #tpu.memory_space<semaphore_mem>>) src(%dma_wait3A_148 : memref<1x128xf32, #tpu.memory_space<vmem>>) dst(%dma_wait3A_144 : memref<1x128xf32, #tpu.memory_space<hbm>>)
      "tpu.trace_stop"() : () -> ()
      tpu.yield
    }) : () -> ()
    return
  }
}

module attributes {stable_mosaic.version = 14 : i64} {
  func.func @_combine_kernel(%arg0: i32, %arg1: memref<1x16384xf32, #tpu.memory_space<vmem>>, %arg2: memref<16384xi32, #tpu.memory_space<vmem>>, %arg3: memref<16384xf32, #tpu.memory_space<vmem>>, %arg4: memref<1x1xf32, #tpu.memory_space<vmem>>) attributes {dimension_semantics = [#tpu.dimension_semantics<arbitrary>], iteration_bounds = array<i64: 1>, scalar_prefetch = 0 : i64, scratch_operands = 0 : i64, tpu.core_type = #tpu.core_type<tc>, window_params = [{pipeline_mode = #tpu.pipeline_mode<synchronous>, transform_indices = @transform_0, window_bounds = array<i64: 1, 16384>}, {pipeline_mode = #tpu.pipeline_mode<synchronous>, transform_indices = @transform_1, window_bounds = array<i64: 16384>}, {pipeline_mode = #tpu.pipeline_mode<synchronous>, transform_indices = @transform_2, window_bounds = array<i64: 16384>}, {pipeline_mode = #tpu.pipeline_mode<synchronous>, transform_indices = @transform_3, window_bounds = array<i64: 1, 1>}]} {
    %get3A = arith.constant 0 : index
    %get3A_0 = vector.load %arg2[%get3A] : memref<16384xi32, #tpu.memory_space<vmem>>, vector<16384xi32>
    %gt3A = arith.constant -1 : i32
    %gt3A_1 = vector.broadcast %gt3A : i32 to vector<16384xi32>
    %gt3A_2 = arith.cmpi sgt, %get3A_0, %gt3A_1 : vector<16384xi32>
    %get3A_3 = arith.constant 0 : index
    %get3A_4 = arith.constant 0 : index
    %get3A_5 = vector.load %arg1[%get3A_3, %get3A_4] : memref<1x16384xf32, #tpu.memory_space<vmem>>, vector<1x16384xf32>
    %get3A_6 = vector.shape_cast %get3A_5 : vector<1x16384xf32> to vector<16384xf32>
    %get3A_7 = arith.constant 0 : index
    %get3A_8 = vector.load %arg3[%get3A_7] : memref<16384xf32, #tpu.memory_space<vmem>>, vector<16384xf32>
    %mul3A = arith.constant 3.000000e+01 : f32
    %mul3A_9 = vector.broadcast %mul3A : f32 to vector<16384xf32>
    %mul3A_10 = arith.mulf %mul3A_9, %get3A_6 : vector<16384xf32>
    %sub3A = arith.subf %get3A_8, %mul3A_10 : vector<16384xf32>
    %jit3A = arith.constant 0.000000e+00 : f32
    %broadcast_in_dim3A = vector.broadcast %jit3A : f32 to vector<16384xf32>
    %select_n3A = arith.select %gt3A_2, %sub3A, %broadcast_in_dim3A : vector<16384xi1>, vector<16384xf32>
    %reduce_sum3A = vector.shape_cast %select_n3A : vector<16384xf32> to vector<1x16384xf32>
    %reduce_sum3A_11 = arith.constant dense<0.000000e+00> : vector<1xf32>
    %reduce_sum3A_12 = vector.multi_reduction <add>, %reduce_sum3A, %reduce_sum3A_11 [1] : vector<1x16384xf32> to vector<1xf32>
    %reduce_sum3A_13 = vector.shape_cast %reduce_sum3A_12 : vector<1xf32> to vector<1x1xf32>
    %reduce_sum3A_14 = vector.extract %reduce_sum3A_13[0, 0] : f32 from vector<1x1xf32>
    %convert_element_type3A = arith.extui %gt3A_2 : vector<16384xi1> to vector<16384xi32>
    %convert_element_type3A_15 = arith.sitofp %convert_element_type3A : vector<16384xi32> to vector<16384xf32>
    %reduce_sum3A_16 = vector.shape_cast %convert_element_type3A_15 : vector<16384xf32> to vector<1x16384xf32>
    %reduce_sum3A_17 = arith.constant dense<0.000000e+00> : vector<1xf32>
    %reduce_sum3A_18 = vector.multi_reduction <add>, %reduce_sum3A_16, %reduce_sum3A_17 [1] : vector<1x16384xf32> to vector<1xf32>
    %reduce_sum3A_19 = vector.shape_cast %reduce_sum3A_18 : vector<1xf32> to vector<1x1xf32>
    %reduce_sum3A_20 = vector.extract %reduce_sum3A_19[0, 0] : f32 from vector<1x1xf32>
    %max3A = arith.constant 1.000000e+00 : f32
    %max3A_21 = arith.maximumf %reduce_sum3A_20, %max3A : f32
    %div3A = arith.divf %reduce_sum3A_14, %max3A_21 : f32
    %reshape3A = vector.broadcast %div3A : f32 to vector<1x1xf32>
    %swap3A = arith.constant 0 : index
    %swap3A_22 = arith.constant 0 : index
    %swap3A_23 = vector.load %arg4[%swap3A, %swap3A_22] : memref<1x1xf32, #tpu.memory_space<vmem>>, vector<1x1xf32>
    tpu.vector_store %arg4[%swap3A, %swap3A_22], %reshape3A {strides = array<i32>} : memref<1x1xf32, #tpu.memory_space<vmem>>, vector<1x1xf32>,
    return
  }
  func.func @transform_0(%arg0: i32) -> (i32, i32) {
    %c0_i32 = arith.constant 0 : i32
    %c0_i32_0 = arith.constant 0 : i32
    %c0_i32_1 = arith.constant 0 : i32
    return %c0_i32, %c0_i32_0 : i32, i32
  }
  func.func @transform_1(%arg0: i32) -> i32 {
    %c0_i32 = arith.constant 0 : i32
    %c0_i32_0 = arith.constant 0 : i32
    return %c0_i32 : i32
  }
  func.func @transform_2(%arg0: i32) -> i32 {
    %c0_i32 = arith.constant 0 : i32
    %c0_i32_0 = arith.constant 0 : i32
    return %c0_i32 : i32
  }
  func.func @transform_3(%arg0: i32) -> (i32, i32) {
    %c0_i32 = arith.constant 0 : i32
    %c0_i32_0 = arith.constant 0 : i32
    %c0_i32_1 = arith.constant 0 : i32
    return %c0_i32, %c0_i32_0 : i32, i32
  }
}

module attributes {stable_mosaic.version = 14 : i64} {
  func.func @_lse_kernel(%arg0: i32, %arg1: memref<512x256xf32, #tpu.memory_space<vmem>>, %arg2: memref<5532x256xbf16, #tpu.memory_space<vmem>>, %arg3: memref<5000x256xbf16, #tpu.memory_space<vmem>>, %arg4: memref<512xf32, #tpu.memory_space<vmem>>) attributes {dimension_semantics = [#tpu.dimension_semantics<arbitrary>], iteration_bounds = array<i64: 32>, scalar_prefetch = 0 : i64, scratch_operands = 0 : i64, tpu.core_type = #tpu.core_type<tc>, window_params = [{transform_indices = @transform_0, window_bounds = array<i64: 512, 256>}, {pipeline_mode = #tpu.pipeline_mode<synchronous>, transform_indices = @transform_1, window_bounds = array<i64: 5532, 256>}, {pipeline_mode = #tpu.pipeline_mode<synchronous>, transform_indices = @transform_2, window_bounds = array<i64: 5000, 256>}, {transform_indices = @transform_3, window_bounds = array<i64: 512>}]} {
    %get3A = arith.constant 0 : index
    %get3A_0 = arith.constant 0 : index
    %get3A_1 = vector.load %arg1[%get3A, %get3A_0] : memref<512x256xf32, #tpu.memory_space<vmem>>, vector<512x256xf32>
    %convert_element_type3A = arith.truncf %get3A_1 : vector<512x256xf32> to vector<512x256xbf16>
    %get3A_2 = arith.constant 0 : index
    %get3A_3 = arith.constant 0 : index
    %get3A_4 = vector.load %arg2[%get3A_2, %get3A_3] : memref<5532x256xbf16, #tpu.memory_space<vmem>>, vector<5532x256xbf16>
    %dot_general3A = arith.constant dense<0.000000e+00> : vector<512x5532xf32>
    %dot_general3A_5 = tpu.matmul %convert_element_type3A, %get3A_4, %dot_general3A {dimension_numbers = #tpu.dot_dimension_numbers<[1], [1], [0], [0], [0, 0, 1, 0], [], []>, transpose_lhs_hint = false} : vector<512x256xbf16>, vector<5532x256xbf16>, vector<512x5532xf32> -> vector<512x5532xf32>
    %get3A_6 = arith.constant 0 : index
    %get3A_7 = arith.constant 0 : index
    %get3A_8 = vector.load %arg3[%get3A_6, %get3A_7] : memref<5000x256xbf16, #tpu.memory_space<vmem>>, vector<5000x256xbf16>
    %dot_general3A_9 = arith.constant dense<0.000000e+00> : vector<512x5000xf32>
    %dot_general3A_10 = tpu.matmul %convert_element_type3A, %get3A_8, %dot_general3A_9 {dimension_numbers = #tpu.dot_dimension_numbers<[1], [1], [0], [0], [0, 0, 1, 0], [], []>, transpose_lhs_hint = false} : vector<512x256xbf16>, vector<5000x256xbf16>, vector<512x5000xf32> -> vector<512x5000xf32>
    %exp23A = math.exp2 %dot_general3A_5 : vector<512x5532xf32>
    %reduce_sum3A = arith.constant dense<0.000000e+00> : vector<512xf32>
    %reduce_sum3A_11 = vector.multi_reduction <add>, %exp23A, %reduce_sum3A [1] : vector<512x5532xf32> to vector<512xf32>
    %exp23A_12 = math.exp2 %dot_general3A_10 : vector<512x5000xf32>
    %reduce_sum3A_13 = arith.constant dense<0.000000e+00> : vector<512xf32>
    %reduce_sum3A_14 = vector.multi_reduction <add>, %exp23A_12, %reduce_sum3A_13 [1] : vector<512x5000xf32> to vector<512xf32>
    %add3A = arith.addf %reduce_sum3A_11, %reduce_sum3A_14 : vector<512xf32>
    %log3A = math.log %add3A : vector<512xf32>
    %swap3A = arith.constant 0 : index
    %swap3A_15 = vector.load %arg4[%swap3A] : memref<512xf32, #tpu.memory_space<vmem>>, vector<512xf32>
    tpu.vector_store %arg4[%swap3A], %log3A {strides = array<i32>} : memref<512xf32, #tpu.memory_space<vmem>>, vector<512xf32>,
    return
  }
  func.func @transform_0(%arg0: i32) -> (i32, i32) {
    %c0_i32 = arith.constant 0 : i32
    %c0_i32_0 = arith.constant 0 : i32
    return %arg0, %c0_i32 : i32, i32
  }
  func.func @transform_1(%arg0: i32) -> (i32, i32) {
    %c0_i32 = arith.constant 0 : i32
    %c0_i32_0 = arith.constant 0 : i32
    %c0_i32_1 = arith.constant 0 : i32
    return %c0_i32, %c0_i32_0 : i32, i32
  }
  func.func @transform_2(%arg0: i32) -> (i32, i32) {
    %c0_i32 = arith.constant 0 : i32
    %c0_i32_0 = arith.constant 0 : i32
    %c0_i32_1 = arith.constant 0 : i32
    return %c0_i32, %c0_i32_0 : i32, i32
  }
  func.func @transform_3(%arg0: i32) -> i32 {
    %c0_i32 = arith.constant 0 : i32
    return %arg0 : i32
  }
}

</mosaic_0001>

<sc_bundles>
// kernel: kernel.5.cloned.1.call-start
scs
__scs_entry_jumppad:
0x0: {  	(pc) =	sbr.rel $0x88, $3  }
0x1: {  	(tag) =	ssettag $0x0;
	lr =	simm.s32 $0x1  }
0x2: {  	[smem:$0x3F9D] =	sst lr;
	_ =	strace $0xD0000000  }
0x3: {  	_ = 	snop  }
0x4: {  	_ = 	snop  }
0x5: {  	_ = 	snop  }
0x6: {  	_ = 	snop  }
0x7: {  	_ = 	snop  }
__scs_overlays_trampoline_lowered:
0x8: {  	[smem:$0x3FAC] =	sst s0  }
0x9: {  	[smem:$0x3FAD] =	sst s1  }
0xa: {  	[smem:$0x3FAE] =	sst s2  }
0xb: {  	[smem:$0x3FAF] =	sst s3  }
0xc: {  	[smem:$0x3FB0] =	sst s4  }
0xd: {  	[smem:$0x3FB1] =	sst s5  }
0xe: {  	[smem:$0x3FB2] =	sst s6  }
0xf: {  	[smem:$0x3FB3] =	sst s7  }
0x10: {  	[smem:$0x3FB4] =	sst s8  }
0x11: {  	[smem:$0x3FB5] =	sst s9;
	s0 =	simm.s32 @!p0 $0x0  }
0x12: {  	s1 =	sld [smem:$0x3F9B];
	s0 =	simm.s32 @p0 $0x1  }
0x13: {  	[smem:$0x3FB6] =	sst s0;
	s0 =	simm.s32 @!p1 $0x0  }
0x14: {  	s2 =	sld [smem:$0x3F9A];
	s0 =	simm.s32 @p1 $0x1  }
0x15: {  	[smem:$0x3FB7] =	sst s0;
	s0 =	simm.s32 @!p2 $0x0  }
0x16: {  	s3 =	sld [smem:$0x3FDB];
	s0 =	simm.s32 @p2 $0x1  }
0x17: {  	s4 =	simm.s32 $0x1BF5;
	[smem:$0x3FB9] =	sst s0  }
0x18: {  	s0 =	sld [smem:$0x3F9C];
	_ =	swait.ge [sflag:s4], $0x0  }
0x19: {  	s7 =	sld [smem:$0x3F9D]  }
0x1a: {  	s8 =	sadd.s32 $0xFFFFE003, lr  }
0x1b: {  	s9 =	sadd.s32 $0xFFFFFEF7, lr;
	s5 =	simm.s32 $0xFFFFFFFF;
	p2 =	slt.u32 s8, $0xFFFFF086  }
0x1c: {  	p1 =	slt.u32 s9, $0xF7A;
	s5 =	simm.s32 @!p2 $0x0  }
0x1d: {  	s5 =	simm.s32 @p1 $0x1;
	p0 =	seq.s32 s7, s2  }
0x1e: {  	s7 =	smul.u32 @!p0 $0xF7A, s2;
	p2 =	seq.s32 @!p0 s5, $0x0  }
0x1f: {  	s9 =	smul.u32 $0xF7A, s1;
	s8 =	simm.s32 @!p0 $0x1BF5;
	p2 =	por !p2, p0  }
0x20: {  	[sflag:s8] =	ssyncset.s32 @!p0 $0xFFFFF086;
	s6 =	sadd.s32 @!p0 s3, s7;
	s7 =	simm.s32 @!p0 $0x108  }
0x21: {  	s3 =	sadd.s32 s3, s9;
	s6 =	sadd.s32 @!p0 $0x88, s6;
	s7 =	simm.s32 @p2 $0x1082  }
0x22: {  	[simem:s7], [sflag:s8] =	dma.local @!p0 [hbm:s6], $0xF7A  }
0x23: {  	s9 =	sor.u32 $0xD0000000, s2;
	s6 =	simm.s32 $0x108;
	_ =	swait.ge @!p0 [sflag:s8], $0x0  }
0x24: {  	s3 =	sadd.s32 $0x88, s3;
	s6 =	simm.s32 @!p1 $0x1082;
	[sflag:s4] =	ssyncset.s32 $0xFFFFF086  }
0x25: {  	[simem:s6], [sflag:s4] =	dma.local [hbm:s3], $0xF7A  }
0x26: {  	[smem:$0x3F9D] =	sst s1;
	(tag) =	ssettag s2;
	_ =	strace s9  }
0x27: {  	s1 =	sld [smem:$0x3FAD]  }
0x28: {  	s2 =	sld [smem:$0x3FAE]  }
0x29: {  	s4 =	sld [smem:$0x3FB0]  }
0x2a: {  	p0 =	seq.s32 s5, $0x0;
	s5 =	sld [smem:$0x3FB1]  }
0x2b: {  	s6 =	sld [smem:$0x3FB2]  }
0x2c: {  	s7 =	sld [smem:$0x3FB3]  }
0x2d: {  	s3 =	simm.s32 $0x108;
	s8 =	sld [smem:$0x3FB4]  }
0x2e: {  	s3 =	simm.s32 @!p0 $0x1082;
	s9 =	sld [smem:$0x3FB5]  }
0x2f: {  	lr =	sadd.s32 s0, s3;
	s0 =	sld [smem:$0x3FAC]  }
0x30: {  	s3 =	sld [smem:$0x3FAF]  }
0x31: {  	[smem:$0x3FB8] =	sst s10  }
0x32: {  	s10 =	sld [smem:$0x3FB6];
	_ =	sdelay $0x3  }
0x33: {  	p0 =	seq.s32 s10, $0x1;
	s10 =	sld [smem:$0x3FB8];
	_ =	sdelay $0x3  }
0x34: {  	[smem:$0x3FB8] =	sst s10  }
0x35: {  	s10 =	sld [smem:$0x3FB7];
	_ =	sdelay $0x3  }
0x36: {  	p1 =	seq.s32 s10, $0x1;
	s10 =	sld [smem:$0x3FB8];
	_ =	sdelay $0x3  }
0x37: {  	[smem:$0x3FB8] =	sst s10  }
0x38: {  	s10 =	sld [smem:$0x3FB9]  }
0x39: {  	_ = 	snop;
	(pc) =	sbr.ind lr, $3  }
0x3a: {  	_ = 	snop  }
0x3b: {  	_ = 	snop  }
0x3c: {  	p2 =	seq.s32 s10, $0x1;
	s10 =	sld [smem:$0x3FB8]  }
0x3d: {  	_ =	shalt  }
0x3e: {  	_ =	shalt  }
0x3f: {  	_ =	shalt  }
0x40: {  	_ =	shalt  }
0x41: {  	_ =	shalt  }
0x42: {  	_ =	shalt  }
0x43: {  	_ =	shalt  }
0x44: {  	_ =	shalt  }
0x45: {  	_ =	shalt  }
0x46: {  	_ =	shalt  }
0x47: {  	_ =	shalt  }
0x48: {  	_ =	shalt  }
0x49: {  	_ =	shalt  }
0x4a: {  	_ =	shalt  }
0x4b: {  	_ =	shalt  }
0x4c: {  	_ =	shalt  }
0x4d: {  	_ =	shalt  }
0x4e: {  	_ =	shalt  }
0x4f: {  	_ =	shalt  }
0x50: {  	_ =	shalt  }
0x51: {  	_ =	shalt  }
0x52: {  	_ =	shalt  }
0x53: {  	_ =	shalt  }
0x54: {  	_ =	shalt  }
0x55: {  	_ =	shalt  }
0x56: {  	_ =	shalt  }
0x57: {  	_ =	shalt  }
0x58: {  	_ =	shalt  }
0x59: {  	_ =	shalt  }
0x5a: {  	_ =	shalt  }
0x5b: {  	_ =	shalt  }
0x5c: {  	_ =	shalt  }
0x5d: {  	_ =	shalt  }
0x5e: {  	_ =	shalt  }
0x5f: {  	_ =	shalt  }
0x60: {  	_ =	shalt  }
0x61: {  	_ =	shalt  }
0x62: {  	_ =	shalt  }
0x63: {  	_ =	shalt  }
0x64: {  	_ =	shalt  }
0x65: {  	_ =	shalt  }
0x66: {  	_ =	shalt  }
0x67: {  	_ =	shalt  }
0x68: {  	_ =	shalt  }
0x69: {  	_ =	shalt  }
0x6a: {  	_ =	shalt  }
0x6b: {  	_ =	shalt  }
0x6c: {  	_ =	shalt  }
0x6d: {  	_ =	shalt  }
0x6e: {  	_ =	shalt  }
0x6f: {  	_ =	shalt  }
0x70: {  	_ =	shalt  }
0x71: {  	_ =	shalt  }
0x72: {  	_ =	shalt  }
0x73: {  	_ =	shalt  }
0x74: {  	_ =	shalt  }
0x75: {  	_ =	shalt  }
0x76: {  	_ =	shalt  }
0x77: {  	_ =	shalt  }
0x78: {  	_ =	shalt  }
0x79: {  	_ =	shalt  }
0x7a: {  	_ =	shalt  }
0x7b: {  	_ =	shalt  }
0x7c: {  	_ =	shalt  }
0x7d: {  	_ =	shalt  }
0x7e: {  	_ =	shalt  }
0x7f: {  	_ =	shalt  }
0x80: {  	_ =	shalt  }
0x81: {  	_ =	shalt  }
0x82: {  	_ =	shalt  }
0x83: {  	_ =	shalt  }
0x84: {  	_ =	shalt  }
0x85: {  	_ =	shalt  }
0x86: {  	_ =	shalt  }
0x87: {  	_ =	shalt  }
.Lfunc_end0:
.L_simem_size_0:
called_computation_lowered:
.L_overlay_start_0:
0x88: {  	s2 =	sld [smem:$0x3FD9]  }
0x89: {  	s3 =	sld [smem:$0x3FFE];
	_ =	sdelay $0x1  }
0x8a: {  	s1 =	srdreg.scid  }
0x8b: {  	s0 =	sand.u32 $0x1, s1  }
0x8c: {  	s17 =	sshll.u32 s0, $0xA;
	s2 =	sadd.s32 s3, s2  }
0x8d: {  	s2 =	sadd.s32 s2, s17  }
0x8e: {  	[smem:$0x3FC4] =	sst s2  }
0x8f: {  	_ = 	snop  }
0x90: {  	s2 =	sld [smem:$0x3FC9]  }
0x91: {  	s18 =	sld [smem:$0x3FC8]  }
0x92: {  	s4 =	sld [smem:$0x3FC7];
	(tm) =	ssettm $0x1  }
0x93: {  	s5 =	sld [smem:$0x3FFB];
	_ =	sdelay $0x3  }
0x94: {  	_ =	strace s5  }
0x95: {  	s5 =	sld [smem:$0x3FFC];
	_ =	sdelay $0x3  }
0x96: {  	_ =	strace s5  }
0x97: {  	s5 =	sld [smem:$0x3FFD];
	_ =	sdelay $0x3  }
0x98: {  	_ =	strace s5  }
0x99: {  	_ =	strace $0x8FFFFFFF  }
0x9a: {  	s19 =	sld [smem:$0x3FDB];
	_ =	sdelay $0x1  }
0x9b: {  	s6 =	simm.s32 $_scs_section_size  }
0x9c: {  	s7 =	simm.s32 $_size__tile_overlayer_lowered;
	s8 =	simm.s32 $_tile_overlayer_lowered  }
0x9d: {  	s22 =	simm.s32 $0x1BFF;
	s21 =	sshll.u32 s8, $0x1;
	s5 =	sadd.s32 s6, s19  }
0x9e: {  	s9 =	simm.s32 $0x0;
	s20 =	sshll.u32 s7, $0x1;
	s7 =	sadd.s32 s21, s5  }
0x9f: {  	[timem:s9], [sflag:s22] =	dma.local [hbm:s7], s20  }
0xa0: {  	_ =	swait.ge [sflag:s22], s20  }
0xa1: {  	s6 =	ssub.s32 $0x0, s20;
	[sflag:s22] =	ssyncset.done $0x0  }
0xa2: {  	[sflag:s22] =	ssyncadd.s32 s6;
	_ =	sdelay $0x1  }
0xa3: {  	s23 =	simm.s32 $0x1B8B  }
0xa4: {  	_ =	swait.ge [sflag:s23], $0x1  }
0xa5: {  	[sflag:s23] =	ssyncset.done $0x0  }
0xa6: {  	s25 =	simm.s32 $0x1B8E;
	s24 =	sld [smem:$0x3FFE];
	[sflag:s23] =	ssyncadd.s32 $0xFFFFFFFF  }
0xa7: {  	s26 =	simm.s32 $execute0_lowered;
	[smem:$0x3FD2] =	sst s25  }
0xa8: {  	s7 =	sshll.u32 s26, $0x1;
	_ =	strace $0x80000046;
	[dreg:$0x1] =	wrdreg $0xFFFFFFFF  }
0xa9: {  	s28 =	simm.s32 $_size_execute0_lowered;
	s5 =	sadd.s32 s5, s7;
	[dreg:$0x0] =	wrdreg $0x0  }
0xaa: {  	s7 =	sshll.u32 s28, $0x1;
	[dreg:$0x2] =	wrdreg s5  }
0xab: {  	[dreg:$0x3] =	wrdreg s7  }
0xac: {  	[dreg:$0x4] =	wrdreg $0xC0  }
0xad: {  	_ =	task [dreg:s9], $0x5FFFF  }
0xae: {  	[dreg:$0x1] =	wrdreg $0xFFFFFFFF  }
0xaf: {  	[dreg:$0x0] =	wrdreg $0x60  }
0xb0: {  	[dreg:$0x2] =	wrdreg s4  }
0xb1: {  	[dreg:$0x3] =	wrdreg s18  }
0xb2: {  	[dreg:$0x4] =	wrdreg s2  }
0xb3: {  	[dreg:$0x5] =	wrdreg s24  }
0xb4: {  	[dreg:$0x6] =	wrdreg $0x9  }
0xb5: {  	_ =	task.clear_ibuf [dreg:s9], $0x7FFFF;
	_ =	strace $0x90000046  }
0xb6: {  	s29 =	simm.s32 $0x9;
	_ =	strace $0x80000051  }
0xb7: {  	_ =	swait.ge [sflag:s29], $0x1  }
0xb8: {  	[sflag:s29] =	ssyncadd.s32 $0xFFFFFFFF  }
0xb9: {  	_ =	strace $0x90000051  }
0xba: {  	_ =	sfence  }
0xbb: {  	s30 =	sld [smem:$0x0];
	_ =	sdelay $0x2  }
0xbc: {  	s31 =	sshll.u32 s1, $0xD;
	s1 =	sshrl.u32 s1, $0x2  }
0xbd: {  	s3 =	sand.u32 $0x4000, s31;
	s1 =	sadd.s32 s1, s30  }
0xbe: {  	s0 =	sor.u32 s3, s0;
	s1 =	sshll.u32 s1, $0x11  }
0xbf: {  	s0 =	sor.u32 s1, s0  }
0xc0: {  	s0 =	sadd.s32 $0x8F2B, s0  }
0xc1: {  	[sflag:s0] =	ssyncadd.remote.s32 $0x1  }
0xc2: {  	_ =	sfence.sel $0xFFFF  }
0xc3: {  	[dreg:$0x0] =	wrdreg $0xFFFFFFFF;
	(pc) =	sbr.abs _section_cstart, $3  }
0xc4: {  	[dreg:$0x1] =	wrdreg $0xFFFFFFFF  }
0xc5: {  	_ =	task.clear_ibuf [dreg:s9], $0x2FFFF;
	_ =	strace $0x9FFFFFFF  }
0xc6: {  	(tm) =	ssettm $0x7FFFFFFF  }
0xc7: {  	_ =	shalt  }
tec
execute0_lowered:
.L_overlay_start_1:
0x0: {  	(tag) =	ssettag $0x1  }
0x1: {  	s1 =	rddreg [dreg:$0x0]  }
0x2: {  	s5 =	rddreg [dreg:$0x1]  }
0x3: {  	s8 =	rddreg [dreg:$0x2]  }
0x4: {  	s0 =	rddreg [dreg:$0x3];
	s2 =	simm.s32 $0x0;
	s24 =	srdreg.scid  }
0x5: {  	s4 =	stileid.u32;
	s22 =	simm.s32 $0x5000;
	s23 =	simm.s32 $0x5800  }
0x6: {  	s28 =	simm.s32 $0x7800;
	[smem:$0x7FF] =	sst s2;
	s2 =	sand.u32 $0x1, s24  }
0x7: {  	s29 =	simm.s32 $0x7;
	s3 =	ssub.s32 $0x2, s2;
	s2 =	sshll.u32 s2, $0x4  }
0x8: {  	s6 =	sadd.s32 $0xE00, s0;
	s24 =	simm.s32 $0x6000;
	s2 =	sor.u32 s4, s2  }
0x9: {  	_ =	strace $0x80000047;
	s25 =	sshrl.u32 s3, $0x1;
	s26 =	sshll.u32 s2, $0x6  }
0xa: {  	s0 =	ssub.s32 s3, s25;
	s4 =	sshll.u32 s2, $0xE;
	s30 =	sadd.s32 s5, s26  }
0xb: {  	v0 =	vlaneseq.u32;
	s7 =	sshll.u32 s2, $0x2;
	s31 =	sadd.s32 s8, s4;
	[dreg:$0x5] =	wrdreg s30  }
0xc: {  	vm0 =	vmmov $0xffff;
	v2 =	vshrl.u32 v0, $0x3;
	s25 =	simm.s32 $0x6800;
	s0 =	smax.u32 s0, $0x1;
	[dreg:$0x6] =	wrdreg s31  }
0xd: {  	v1 =	vand.u32 $0x7, v0;
	v3 =	vor.u32 $0x8, v0;
	v2 =	vmul.u32 $0x8, v2;
	s2 =	simm.s32 $0x0;
	s26 =	simm.s32 $0x7000;
	[dreg:$0x7] =	wrdreg s0  }
.LBB2_1:
0xe: {  	[dreg:$0x8] =	wrdreg s2  }
0xf: {  	s0 =	simm.s32 $0x0;
	s3 =	simm.s32 $0x8000;
	s31 =	simm.s32 $0x8100  }
0x10: {  	s30 =	simm.s32 $0x0;
	s5 =	simm.s32 $0x0;
	_ =	strace $0x80000048  }
0x11: {  	s11 =	simm.s32 $0x0;
	s12 =	simm.s32 $0x1;
	s20 =	rddreg [dreg:$0x5]  }
0x12: {  	[tilespmem:s3], [sflag:$0x1] =	stream.linear.gather [hbm4b:s20+s0], $0x80, $0x200038;
	[tilespmem:$0x18200] =	vst v63  }
0x13: {  	s4 =	simm.s32 $0x0;
	s2 =	simm.s32 $0x1;
	s21 =	rddreg [dreg:$0x6]  }
0x14: {  	[tilespmem:s31], [sflag:$0x3] =	stream.linear.gather [hbm4b:s21+s0], $0x8000, $0x200038;
	[tilespmem:$0x18200] =	vst v63  }
0x15: {  	s9 =	simm.s32 $0x0;
	s0 =	simm.s32 $0x0;
	_ =	strace $0x90000048  }
.LBB2_2:
0x16: {  	s10 =	sadd.s32 $0x1, s30  }
0x17: {  	p0 =	seq.s32 s10, $0x4  }
0x18: {  	s10 =	simm.s32 @p0 $0x0;
	p0 =	seq.s32 s9, $0x3  }
0x19: {  	p1 =	seq.s32 @!p0 s30, s10  }
0x1a: {  	p2 =	por p1, p0  }
0x1b: {  	s3 =	sadd.s32 @!p2 s7, s10;
	s13 =	sand.u32 @!p2 $0x1, s2  }
0x1c: {  	_ =	strace @!p2 $0x80000049;
	s14 =	sshll.u32 @!p2 s13, $0x7;
	s15 =	sshll.u32 @!p2 s3, $0x4  }
0x1d: {  	s13 =	sadd.s32 @!p2 $0x1, s13;
	s16 =	rddreg [dreg:$0x1];
	s15 =	sand.u32 @!p2 $0x1FFFFFF0, s15  }
0x1e: {  	s14 =	sor.u32 @!p2 $0x8000, s14;
	s15 =	sadd.s32 @!p2 s16, s15;
	s16 =	simm.s32 @!p2 $0x0  }
0x1f: {  	[tilespmem:s14], [sflag:s13] =	stream.linear.gather @!p2 [hbm4b:s15+s16], $0x80, $0x200038;
	[tilespmem:$0x18200] =	vst v63  }
0x20: {  	_ =	strace @!p2 $0x90000049  }
0x21: {  	s3 =	sshll.u32 @!p2 s3, $0xC;
	s13 =	sand.u32 @!p2 $0x1, s12;
	_ =	strace @!p2 $0x8000004A  }
0x22: {  	s3 =	sand.u32 @!p2 $0x1FFFF000, s3;
	s14 =	sshll.u32 @!p2 s13, $0xF;
	s15 =	rddreg [dreg:$0x2]  }
0x23: {  	s13 =	sadd.s32 @!p2 $0x3, s13;
	s14 =	sadd.s32 @!p2 $0x8100, s14;
	s3 =	sadd.s32 @!p2 s15, s3  }
0x24: {  	[tilespmem:s14], [sflag:s13] =	stream.linear.gather @!p2 [hbm4b:s3+s16], $0x8000, $0x200038;
	[tilespmem:$0x18200] =	vst v63  }
0x25: {  	s15 =	sand.u32 $0x1, s4;
	_ =	strace @!p2 $0x9000004A  }
0x26: {  	s3 =	sadd.s32 $0x1, s15;
	_ =	strace $0x8000004B  }
0x27: {  	_ =	swait.ge [sflag:s3], $0x80  }
0x28: {  	[sflag:s3] =	ssyncset.done $0x0  }
0x29: {  	[sflag:s3] =	ssyncadd.s32 $0xFFFFFF80  }
0x2a: {  	s16 =	sand.u32 $0x1, s11;
	_ =	strace $0x9000004B  }
0x2b: {  	s3 =	sadd.s32 $0x3, s16;
	_ =	strace $0x8000004C  }
0x2c: {  	_ =	swait.ge [sflag:s3], $0x8000  }
0x2d: {  	[sflag:s3] =	ssyncset.done $0x0  }
0x2e: {  	[sflag:s3] =	ssyncadd.s32 $0xFFFF8000  }
0x2f: {  	s17 =	sshll.u32 s4, $0x7;
	_ =	strace $0x9000004C  }
0x30: {  	s3 =	sand.u32 $0x80, s17;
	_ =	strace $0x8000004D  }
0x31: {  	v4 =	vld [tilespmem:s3+$0x8000];
	_ =	sdelay $0x4  }
0x32: {  	v5 =	vshll.u32 v4, $0x1  }
0x33: {  	v4 =	vand.u32 $0x7, v4;
	v5 =	vand.u32 $0xFFFFFFF0, v5  }
0x34: {  	v4 =	vor.u32 v4, v5  }
0x35: {  	v5 =	vperm.xlane v4, v1;
	_ =	sdelay $0x1  }
0x36: {  	v4 =	vperm.xlane v4, v3;
	v5 =	vadd.s32 v2, v5;
	_ =	sdelay $0x1  }
0x37: {  	v4 =	vadd.s32 v2, v4;
	_ =	sdelay $0x1  }
0x38: {  	s31 =	simm.s32 $0x0  }
0x39: {  	[tilespmem:s31], [sflag:$0x7] =	stream.indirect_vreg.gather [hbm4b:s1+s31], $0x80, v5, vm0, $0x2000b8;
	[tilespmem:$0x18200] =	vst v63  }
0x3a: {  	s18 =	simm.s32 $0x800  }
0x3b: {  	[tilespmem:s18], [sflag:$0x7] =	stream.indirect_vreg.gather [hbm4b:s1+s31], $0x80, v4, vm0, $0x2000b8;
	[tilespmem:$0x18200] =	vst v63  }
0x3c: {  	v4 =	vld [tilespmem:s3+$0x8010];
	_ =	sdelay $0x4  }
0x3d: {  	v5 =	vshll.u32 v4, $0x1  }
0x3e: {  	v4 =	vand.u32 $0x7, v4;
	v5 =	vand.u32 $0xFFFFFFF0, v5  }
0x3f: {  	v4 =	vor.u32 v4, v5  }
0x40: {  	v5 =	vperm.xlane v4, v1;
	_ =	sdelay $0x1  }
0x41: {  	v4 =	vperm.xlane v4, v3;
	v5 =	vadd.s32 v2, v5;
	_ =	sdelay $0x1  }
0x42: {  	v4 =	vadd.s32 v2, v4;
	_ =	sdelay $0x1  }
0x43: {  	s19 =	simm.s32 $0x1000  }
0x44: {  	[tilespmem:s19], [sflag:$0x7] =	stream.indirect_vreg.gather [hbm4b:s1+s31], $0x80, v5, vm0, $0x2000b8;
	[tilespmem:$0x18200] =	vst v63  }
0x45: {  	s20 =	simm.s32 $0x1800  }
0x46: {  	[tilespmem:s20], [sflag:$0x7] =	stream.indirect_vreg.gather [hbm4b:s1+s31], $0x80, v4, vm0, $0x2000b8;
	[tilespmem:$0x18200] =	vst v63  }
0x47: {  	v4 =	vld [tilespmem:s3+$0x8020];
	_ =	sdelay $0x4  }
0x48: {  	v5 =	vshll.u32 v4, $0x1  }
0x49: {  	v4 =	vand.u32 $0x7, v4;
	v5 =	vand.u32 $0xFFFFFFF0, v5  }
0x4a: {  	v4 =	vor.u32 v4, v5  }
0x4b: {  	v5 =	vperm.xlane v4, v1;
	_ =	sdelay $0x1  }
0x4c: {  	v4 =	vperm.xlane v4, v3;
	v5 =	vadd.s32 v2, v5;
	_ =	sdelay $0x1  }
0x4d: {  	v4 =	vadd.s32 v2, v4;
	_ =	sdelay $0x1  }
0x4e: {  	s21 =	simm.s32 $0x2000  }
0x4f: {  	[tilespmem:s21], [sflag:$0x7] =	stream.indirect_vreg.gather [hbm4b:s1+s31], $0x80, v5, vm0, $0x2000b8;
	[tilespmem:$0x18200] =	vst v63  }
0x50: {  	s14 =	simm.s32 $0x2800  }
0x51: {  	[tilespmem:s14], [sflag:$0x7] =	stream.indirect_vreg.gather [hbm4b:s1+s31], $0x80, v4, vm0, $0x2000b8;
	[tilespmem:$0x18200] =	vst v63  }
0x52: {  	v4 =	vld [tilespmem:s3+$0x8030];
	_ =	sdelay $0x4  }
0x53: {  	v5 =	vshll.u32 v4, $0x1  }
0x54: {  	v4 =	vand.u32 $0x7, v4;
	v5 =	vand.u32 $0xFFFFFFF0, v5  }
0x55: {  	v4 =	vor.u32 v4, v5  }
0x56: {  	v5 =	vperm.xlane v4, v1;
	_ =	sdelay $0x1  }
0x57: {  	v4 =	vperm.xlane v4, v3;
	v5 =	vadd.s32 v2, v5;
	_ =	sdelay $0x1  }
0x58: {  	v4 =	vadd.s32 v2, v4;
	_ =	sdelay $0x1  }
0x59: {  	s15 =	simm.s32 $0x3000  }
0x5a: {  	[tilespmem:s15], [sflag:$0x7] =	stream.indirect_vreg.gather [hbm4b:s1+s31], $0x80, v5, vm0, $0x2000b8;
	[tilespmem:$0x18200] =	vst v63  }
0x5b: {  	s16 =	simm.s32 $0x3800  }
0x5c: {  	[tilespmem:s16], [sflag:$0x7] =	stream.indirect_vreg.gather [hbm4b:s1+s31], $0x80, v4, vm0, $0x2000b8;
	[tilespmem:$0x18200] =	vst v63  }
0x5d: {  	v4 =	vld [tilespmem:s3+$0x8040];
	_ =	sdelay $0x4  }
0x5e: {  	v5 =	vshll.u32 v4, $0x1  }
0x5f: {  	v4 =	vand.u32 $0x7, v4;
	v5 =	vand.u32 $0xFFFFFFF0, v5  }
0x60: {  	v4 =	vor.u32 v4, v5  }
0x61: {  	v5 =	vperm.xlane v4, v1;
	_ =	sdelay $0x1  }
0x62: {  	v4 =	vperm.xlane v4, v3;
	v5 =	vadd.s32 v2, v5;
	_ =	sdelay $0x1  }
0x63: {  	v4 =	vadd.s32 v2, v4;
	_ =	sdelay $0x1  }
0x64: {  	s17 =	simm.s32 $0x4000  }
0x65: {  	[tilespmem:s17], [sflag:$0x7] =	stream.indirect_vreg.gather [hbm4b:s1+s31], $0x80, v5, vm0, $0x2000b8;
	[tilespmem:$0x18200] =	vst v63  }
0x66: {  	s18 =	simm.s32 $0x4800  }
0x67: {  	[tilespmem:s18], [sflag:$0x7] =	stream.indirect_vreg.gather [hbm4b:s1+s31], $0x80, v4, vm0, $0x2000b8;
	[tilespmem:$0x18200] =	vst v63  }
0x68: {  	v4 =	vld [tilespmem:s3+$0x8050];
	_ =	sdelay $0x4  }
0x69: {  	v5 =	vshll.u32 v4, $0x1  }
0x6a: {  	v4 =	vand.u32 $0x7, v4;
	v5 =	vand.u32 $0xFFFFFFF0, v5  }
0x6b: {  	v4 =	vor.u32 v4, v5  }
0x6c: {  	v5 =	vperm.xlane v4, v1;
	_ =	sdelay $0x1  }
0x6d: {  	v4 =	vperm.xlane v4, v3;
	v5 =	vadd.s32 v2, v5;
	_ =	sdelay $0x1  }
0x6e: {  	v4 =	vadd.s32 v2, v4;
	_ =	sdelay $0x2  }
0x6f: {  	[tilespmem:s22], [sflag:$0x7] =	stream.indirect_vreg.gather [hbm4b:s1+s31], $0x80, v5, vm0, $0x2000b8;
	[tilespmem:$0x18200] =	vst v63  }
0x70: {  	_ = 	snop  }
0x71: {  	[tilespmem:s23], [sflag:$0x7] =	stream.indirect_vreg.gather [hbm4b:s1+s31], $0x80, v4, vm0, $0x2000b8;
	[tilespmem:$0x18200] =	vst v63  }
0x72: {  	v4 =	vld [tilespmem:s3+$0x8060];
	_ =	sdelay $0x4  }
0x73: {  	v5 =	vshll.u32 v4, $0x1  }
0x74: {  	v4 =	vand.u32 $0x7, v4;
	v5 =	vand.u32 $0xFFFFFFF0, v5  }
0x75: {  	v4 =	vor.u32 v4, v5  }
0x76: {  	v5 =	vperm.xlane v4, v1;
	_ =	sdelay $0x1  }
0x77: {  	v4 =	vperm.xlane v4, v3;
	v5 =	vadd.s32 v2, v5;
	_ =	sdelay $0x1  }
0x78: {  	v4 =	vadd.s32 v2, v4;
	_ =	sdelay $0x2  }
0x79: {  	[tilespmem:s24], [sflag:$0x7] =	stream.indirect_vreg.gather [hbm4b:s1+s31], $0x80, v5, vm0, $0x2000b8;
	[tilespmem:$0x18200] =	vst v63  }
0x7a: {  	_ = 	snop  }
0x7b: {  	[tilespmem:s25], [sflag:$0x7] =	stream.indirect_vreg.gather [hbm4b:s1+s31], $0x80, v4, vm0, $0x2000b8;
	[tilespmem:$0x18200] =	vst v63  }
0x7c: {  	v4 =	vld [tilespmem:s3+$0x8070];
	_ =	sdelay $0x4  }
0x7d: {  	v5 =	vshll.u32 v4, $0x1  }
0x7e: {  	v4 =	vand.u32 $0x7, v4;
	v5 =	vand.u32 $0xFFFFFFF0, v5  }
0x7f: {  	v4 =	vor.u32 v4, v5  }
0x80: {  	v5 =	vperm.xlane v4, v1;
	_ =	sdelay $0x1  }
0x81: {  	v4 =	vperm.xlane v4, v3;
	v5 =	vadd.s32 v2, v5;
	_ =	sdelay $0x1  }
0x82: {  	p1 =	por !p1, p0;
	s13 =	sadd.s32 @!p2 $0x1, s2;
	v4 =	vadd.s32 v2, v4  }
0x83: {  	s8 =	smov.u32 s2;
	s2 =	smov.u32 @p1 s13  }
0x84: {  	s2 =	smov.u32 @p0 s8;
	s8 =	sand.u32 $0x1, s5;
	s19 =	sshll.u32 s11, $0xF  }
0x85: {  	[tilespmem:s26], [sflag:$0x7] =	stream.indirect_vreg.gather [hbm4b:s1+s31], $0x80, v5, vm0, $0x2000b8;
	[tilespmem:$0x18200] =	vst v63  }
0x86: {  	s13 =	sand.u32 $0x8000, s19;
	s20 =	sshll.u32 s8, $0x7  }
0x87: {  	[tilespmem:s28], [sflag:$0x7] =	stream.indirect_vreg.gather [hbm4b:s1+s31], $0x80, v4, vm0, $0x2000b8;
	[tilespmem:$0x18200] =	vst v63  }
0x88: {  	s21 =	sadd.s32 $0x8100, s13;
	s3 =	simm.s32 $0x0;
	_ =	swait.ge [sflag:s29], $0x8000  }
0x89: {  	s13 =	sor.u32 $0x18100, s20;
	s3 =	simm.s32 @p1 $0x1;
	[sflag:s29] =	ssyncset.done $0x0  }
0x8a: {  	s14 =	sadd.s32 s7, s30;
	s3 =	simm.s32 @p0 $0x0;
	v5 =	vmov s13;
	v4 =	vmov s21;
	[sflag:s29] =	ssyncadd.s32 $0xFFFF8000  }
.LBB2_3:
0x8b: {  	s15 =	sshll.u32 s31, $0x4;
	v6 =	vimm.f32 $0.0e+00;
	s16 =	simm.s32 $0x0  }
.LBB2_4:
0x8c: {  	s17 =	sadd.s32 s15, s16  }
0x8d: {  	s18 =	sshll.u32 s16, $0x7;
	s17 =	sshll.u32 s17, $0x8  }
0x8e: {  	s19 =	simm.s32 $0x0;
	s18 =	sand.u32 $0x380, s18;
	s17 =	sand.u32 $0x7800, s17  }
0x8f: {  	s21 =	sand.u32 $0x400, s19;
	s17 =	sor.u32 s18, s17  }
0x90: {  	s19 =	sand.u32 $0x70, s19;
	s18 =	sor.u32 s21, s17  }
0x91: {  	s19 =	sor.u32 s19, s18  }
0x92: {  	v7 =	vld.idx.msk [tilespmem:v4+s19+$0x0 ss:$0x1], $0xffff  }
0x93: {  	v8 =	vimm.f32 $0.0e+00;
	s18 =	simm.s32 $0x10;
	v9 =	vld [tilespmem:s19+$0x0];
	s19 =	simm.s32 $0x80  }
.LBB2_5:
0x94: {  	s20 =	sand.u32 $0x400, s19  }
0x95: {  	p1 =	sne.s32 s18, $0xF0;
	s21 =	smov.u32 s18;
	s18 =	sadd.s32 $0x10, s18  }
.Ltmp0:
0x96: {  	s21 =	sand.u32 $0x70, s21;
	s20 =	sor.u32 s20, s17;
	(pc) =	sbr.rel @p1 .LBB2_5-.Ltmp0, $4  }
0x97: {  	s20 =	sor.u32 s21, s20  }
0x98: {  	v10 =	vmul.f32 v9, v7;
	v7 =	vld.idx.msk [tilespmem:v4+s20+$0x0 ss:$0x1], $0xffff  }
0x99: {  	v9 =	vld [tilespmem:s20+$0x0]  }
0x9a: {  	s19 =	sadd.s32 $0x80, s19;
	v8 =	vadd.f32 v10, v8  }
0x9b: {  	_ =	sdelay $0x2  }
0x9c: {  	v7 =	vmul.f32 v9, v7;
	_ =	sdelay $0x1  }
0x9d: {  	v7 =	vadd.f32 v7, v8;
	_ =	sdelay $0x1  }
0x9e: {  	(xrf2) =	vadd.scan.msk.f32 $0xffff, v7;
	_ =	sdelay $0x6  }
0x9f: {  	v7 =	vmov s16;
	s16 =	sadd.s32 $0x1, s16  }
0xa0: {  	p1 =	sne.s32 s16, $0x10  }
.Ltmp1:
0xa1: {  	_ = 	snop;
	(pc) =	sbr.rel @p1 .LBB2_4-.Ltmp1, $4  }
0xa2: {  	v8, _, _ =	vpop (xrf2)  }
0xa3: {  	v8 =	vbroadcast v8, $0xF  }
0xa4: {  	vm1 =	veq.s32 v7, v0  }
0xa5: {  	v6 =	vsel vm1, v8, v6  }
0xa6: {  	s31 =	sadd.s32 $0x1, s31  }
0xa7: {  	p1 =	sne.s32 s31, $0x8  }
.Ltmp2:
0xa8: {  	_ = 	snop;
	(pc) =	sbr.rel @p1 .LBB2_3-.Ltmp2, $2  }
0xa9: {  	_ =	sdelay $0x2  }
0xaa: {  	[tilespmem:v5+s15+$0x0 ss:$0x1] =	vst.idx.msk $0xffff, v6  }
0xab: {  	p1 =	sne.s32 s30, s10  }
0xac: {  	p0 =	por p0, p1  }
0xad: {  	_ =	strace $0x9000004D;
	s12 =	sadd.s32 s12, s3;
	s14 =	sshll.u32 @p0 s14, $0x4  }
0xae: {  	s3 =	simm.s32 $0x1;
	_ =	strace @p0 $0x8000004E;
	s14 =	sand.u32 @p0 $0x1FFFFFF0, s14  }
0xaf: {  	s8 =	sadd.s32 @p0 $0x5, s8;
	s15 =	simm.s32 @p0 $0x0;
	s14 =	sadd.s32 @p0 s6, s14  }
0xb0: {  	[hbm4b:s14+s15] =	stream.linear.scatter @p0 [tilespmem:s13], [sflag:s8], $0x80, $0x200038;
	[tilespmem:$0x18200] =	vst v63  }
0xb1: {  	p1 =	seq.s32 s9, $0x0;
	s13 =	simm.s32 $0x1;
	_ =	strace @p0 $0x9000004E  }
0xb2: {  	s13 =	simm.s32 @!p0 $0x0;
	p0 =	sne.s32 s9, $0x0;
	s9 =	sadd.s32 $0x1, s9  }
0xb3: {  	s8 =	sand.u32 @!p1 $0x1, s0;
	s3 =	simm.s32 @!p0 $0x0;
	p0 =	sne.s32 s9, $0x4  }
.Ltmp3:
0xb4: {  	s8 =	sadd.s32 @!p1 $0x5, s8;
	_ =	strace @!p1 $0x8000004F;
	(pc) =	sbr.rel @p0 .LBB2_2-.Ltmp3, $4  }
0xb5: {  	_ =	swait.ge @!p1 [sflag:s8], $0x80  }
0xb6: {  	s30 =	smov.u32 s10;
	[sflag:s8] =	ssyncset.done @!p1 $0x0  }
0xb7: {  	s5 =	sadd.s32 s13, s5;
	s4 =	sadd.s32 s13, s4;
	[sflag:s8] =	ssyncadd.s32 @!p1 $0xFFFFFF80  }
0xb8: {  	s11 =	sadd.s32 s13, s11;
	s0 =	sadd.s32 s3, s0;
	_ =	strace @!p1 $0x9000004F  }
0xb9: {  	_ =	strace $0x80000050;
	s0 =	simm.s32 $0x6  }
0xba: {  	_ =	swait.ge [sflag:s0], $0x80  }
0xbb: {  	s2 =	rddreg [dreg:$0x8]  }
0xbc: {  	s31 =	rddreg [dreg:$0x7];
	s2 =	sadd.s32 $0x1, s2  }
0xbd: {  	p0 =	sne.s32 s2, s31  }
.Ltmp4:
0xbe: {  	_ = 	snop;
	(pc) =	sbr.rel @p0 .LBB2_1-.Ltmp4, $4  }
0xbf: {  	_ = 	snop  }
0xc0: {  	[sflag:s0] =	ssyncset.done $0x0  }
0xc1: {  	[sflag:s0] =	ssyncadd.s32 $0xFFFFFF80  }
0xc2: {  	_ =	strace $0x90000050  }
0xc3: {  	_ =	sfence.sel $0x180000  }
0xc4: {  	[bflag:$0x0] =	sbarrier.arrive $0xFFFF  }
0xc5: {  	_ =	strace $0x90000047  }
0xc6: {  	s0 =	stileid.u32;
	[bflag:$0x2] =	sbarrier.arrive $0xFFFF  }
0xc7: {  	p0 =	sne.s32 s0, $0x0;
	s0 =	rddreg [dreg:$0x4]  }
0xc8: {  	s0 =	sadd.s32 @!p0 $0x100000, s0  }
0xc9: {  	[sflag:s0] =	ssyncadd.tile.s32 @!p0 $0x1;
	_ =	shalt  }
.Lfunc_end2:
_tile_overlayer_lowered:
.L_overlay_start_2:
0xca: {  	(tag) =	ssettag $0x2  }
0xcb: {  	s0 =	rddreg [dreg:$0x0];
	s2 =	stileid.u32  }
0xcc: {  	s1 =	rddreg [dreg:$0x1];
	p0 =	sne.s32 s2, $0x0  }
0xcd: {  	s3 =	rddreg [dreg:$0x2];
	[bflag:$0x3] =	sbarrier.arrive $0xFFFF;
	s2 =	simm.s32 @!p0 $0x1C01  }
0xce: {  	[timem:s3], [sflag:s2] =	dma.local @!p0 [hbm:s0], s1  }
0xcf: {  	s0 =	simm.s32 @!p0 $0x1  }
0xd0: {  	_ =	swait.ge @!p0 [sflag:s0], s1  }
0xd1: {  	s1 =	ssub.s32 @!p0 $0x0, s1;
	[sflag:s0] =	ssyncset.done @!p0 $0x0  }
0xd2: {  	[sflag:s0] =	ssyncadd.s32 @!p0 s1  }
0xd3: {  	[bflag:$0x3] =	sbarrier.arrive $0xFFFF  }
0xd4: {  	_ =	shalt  }

</sc_bundles>
